<compile_context>
chip_gen: v7x
topology: tpu7x:2x2x1
jax: 0.10.2.dev20260603
libtpu: 0.0.44.dev20260713+nightly
codegen_flags: <defaults>
</compile_context>

<pallas_src>
import functools

import jax
import jax.numpy as jnp
import numpy as np
from jax import lax
from jax.experimental import pallas as pl
from jax.experimental.pallas import tpu as pltpu
from jax.experimental.pallas import tpu_sc as plsc

_EPS_FLOOR = float(np.finfo(float).eps)

T_TOK = 4096
N_C = 384
N_E = 8
N_HID = 1536
RBLK = 1024
N_RBLK = T_TOK // RBLK
MBLK = 512
N_MBLK = 2 * T_TOK // MBLK + N_E
P_ROWS = N_MBLK * MBLK
NW = 32
CHUNK = T_TOK // NW


def _gelu_exact(v):
    return v * 0.5 * (1.0 + lax.erf(v * np.float32(1.0 / np.sqrt(2.0))))


def _bf16_dot(a, b, dims):
    return lax.dot_general(
        a.astype(jnp.bfloat16), b.astype(jnp.bfloat16), (dims, ((), ())),
        preferred_element_type=jnp.float32)


def _router_kernel(x_ref, pt_ref, w_g_ref,
                   p1_ref, p2_ref, g1_ref, g2_ref, eob_ref, loss_ref,
                   run_scr, wsum_scr, tri_scr, r1_scr, r2_scr, e1_scr, e2_scr):
    t = pl.program_id(0)

    @pl.when(t == 0)
    def _init():
        run_scr[...] = jnp.zeros_like(run_scr)
        wsum_scr[...] = jnp.zeros_like(wsum_scr)
        r = lax.broadcasted_iota(jnp.int32, (RBLK, RBLK), 0)
        c = lax.broadcasted_iota(jnp.int32, (RBLK, RBLK), 1)
        tri_scr[...] = (c < r).astype(jnp.bfloat16)

    x_cat = jnp.concatenate(
        [x_ref[...].astype(jnp.bfloat16),
         jnp.broadcast_to(pt_ref[0], (RBLK, N_C))], axis=1)
    logits = lax.dot_general(
        x_cat, w_g_ref[...], ((((1,), (0,))), ((), ())),
        preferred_element_type=jnp.float32)
    col = lax.broadcasted_iota(jnp.int32, logits.shape, 1)
    i1 = jnp.argmax(logits, axis=1, keepdims=True)
    v1 = jnp.max(logits, axis=1, keepdims=True)
    masked = jnp.where(col == i1, -jnp.inf, logits)
    i2 = jnp.argmax(masked, axis=1, keepdims=True)
    v2 = jnp.max(masked, axis=1, keepdims=True)
    e2v = jnp.exp(v2 - v1)
    g1 = 1.0 / (1.0 + e2v)
    g2 = e2v / (1.0 + e2v)

    oh1 = (col == i1).astype(jnp.float32)
    oh2 = (col == i2).astype(jnp.float32)
    ohs = oh1 + oh2
    w_blk = oh1 * g1 + oh2 * g2

    prior = run_scr[...]
    s_blk = lax.dot_general(
        tri_scr[...], ohs.astype(jnp.bfloat16), (((1,), (0,)), ((), ())),
        preferred_element_type=jnp.float32)
    base = prior + s_blk
    r1_scr[t] = jnp.sum(oh1 * base, axis=1, keepdims=True)
    r2_scr[t] = jnp.sum(oh2 * base, axis=1, keepdims=True)
    e1_scr[t] = i1
    e2_scr[t] = i2
    g1_ref[0] = g1
    g2_ref[0] = g2

    run_scr[...] += jnp.sum(ohs, axis=0, keepdims=True)
    wsum_scr[...] += jnp.sum(w_blk, axis=0, keepdims=True)

    @pl.when(t == N_RBLK - 1)
    def _fin():
        cnt = run_scr[...]
        padded = jnp.floor((cnt + (MBLK - 1)) * (1.0 / MBLK)) * MBLK
        ei = lax.broadcasted_iota(jnp.int32, (N_E, N_E), 0)
        ej = lax.broadcasted_iota(jnp.int32, (N_E, N_E), 1)
        tri8 = (ei < ej).astype(jnp.bfloat16)
        pad8 = jnp.broadcast_to(padded, (N_E, N_E)).astype(jnp.bfloat16)
        seg8 = lax.dot_general(
            pad8, tri8, (((1,), (0,)), ((), ())),
            preferred_element_type=jnp.float32)
        seg_row = seg8[0:1, :]

        total_used = jnp.sum(padded)
        brow = lax.broadcasted_iota(jnp.int32, (64, 1), 0).astype(jnp.float32)
        segb = jnp.broadcast_to(seg_row, (64, N_E))
        emap = (jnp.sum(
            (brow * MBLK >= segb).astype(jnp.float32), axis=1, keepdims=True)
            - 1.0).astype(jnp.int32)
        eob_ref[...] = jnp.where(brow * MBLK < total_used, emap, -1)

        colt = lax.broadcasted_iota(jnp.int32, (T_TOK, N_E), 1)
        segt = jnp.broadcast_to(seg_row, (T_TOK, N_E))
        e1a = e1_scr[...].reshape(T_TOK, 1)
        e2a = e2_scr[...].reshape(T_TOK, 1)
        s1 = jnp.sum(jnp.where(colt == e1a, segt, 0.0), axis=1, keepdims=True)
        s2 = jnp.sum(jnp.where(colt == e2a, segt, 0.0), axis=1, keepdims=True)
        p1 = (r1_scr[...].reshape(T_TOK, 1) + s1).astype(jnp.int32)
        p2 = (r2_scr[...].reshape(T_TOK, 1) + s2).astype(jnp.int32)
        p1_ref[...] = p1.reshape(N_RBLK, RBLK, 1)
        p2_ref[...] = p2.reshape(N_RBLK, RBLK, 1)

        def balance(v):
            m = jnp.mean(v)
            var = jnp.sum((v - m) ** 2) / (v.shape[-1] - 1)
            return var / (m * m + 1e-10)

        loss_ref[0, 0] = balance(wsum_scr[0, :]) + balance(cnt[0, :])


def _make_dispatch():
    mesh = plsc.VectorSubcoreMesh(core_axis_name="c", subcore_axis_name="s")

    @functools.partial(
        pl.kernel, mesh=mesh,
        out_type=jax.ShapeDtypeStruct((P_ROWS, N_C), jnp.float32),
        scratch_types=[
            pltpu.VMEM((CHUNK, N_C), jnp.float32),
            pltpu.VMEM((CHUNK,), jnp.int32),
            pltpu.VMEM((CHUNK,), jnp.int32),
            pltpu.SemaphoreType.DMA,
            pltpu.SemaphoreType.DMA,
        ],
    )
    def dispatch(xt_hbm, p1_hbm, p2_hbm, xs_hbm,
                 rows_v, p1_v, p2_v, sem1, sem2):
        wid = lax.axis_index("s") * 2 + lax.axis_index("c")
        base = wid * CHUNK
        pltpu.sync_copy(xt_hbm.at[pl.ds(base, CHUNK)], rows_v)
        pltpu.sync_copy(p1_hbm.at[wid], p1_v)
        pltpu.sync_copy(p2_hbm.at[wid], p2_v)
        cp1 = pltpu.async_copy(rows_v, xs_hbm.at[p1_v], sem1)
        cp2 = pltpu.async_copy(rows_v, xs_hbm.at[p2_v], sem2)
        cp1.wait()
        cp2.wait()

    return dispatch


def _mlp_kernel(eob_ref, xs_ref, fc1_w_ref, fc1_b_ref, fc2_w_ref, fc2_b_ref,
                o_ref):
    b = pl.program_id(0)
    e = eob_ref[b]

    @pl.when(e >= 0)
    def _body():
        x = xs_ref[...].astype(jnp.bfloat16)
        h1 = lax.dot_general(
            x, fc1_w_ref[e], (((1,), (1,)), ((), ())),
            preferred_element_type=jnp.float32) + fc1_b_ref[e]
        h1 = _gelu_exact(h1).astype(jnp.bfloat16)
        o_ref[...] = lax.dot_general(
            h1, fc2_w_ref[e], (((1,), (1,)), ((), ())),
            preferred_element_type=jnp.float32) + fc2_b_ref[e]


def _run_mlp(eob, xs, fc1_w, fc1_b, fc2_w, fc2_b):
    resident = lambda b, s: (0, 0, 0)
    return pl.pallas_call(
        _mlp_kernel,
        grid_spec=pltpu.PrefetchScalarGridSpec(
            num_scalar_prefetch=1,
            grid=(N_MBLK,),
            in_specs=[
                pl.BlockSpec((MBLK, N_C), lambda b, s: (b, 0)),
                pl.BlockSpec((N_E, N_HID, N_C), resident),
                pl.BlockSpec((N_E, 1, N_HID), resident),
                pl.BlockSpec((N_E, N_C, N_HID), resident),
                pl.BlockSpec((N_E, 1, N_C), resident),
            ],
            out_specs=pl.BlockSpec((MBLK, N_C), lambda b, s: (b, 0)),
        ),
        out_shape=jax.ShapeDtypeStruct((P_ROWS, N_C), jnp.float32),
    )(eob, xs,
      fc1_w.astype(jnp.bfloat16), fc1_b.reshape(N_E, 1, N_HID),
      fc2_w.astype(jnp.bfloat16), fc2_b.reshape(N_E, 1, N_C))


def _make_gather():
    mesh = plsc.VectorSubcoreMesh(core_axis_name="c", subcore_axis_name="s")

    @functools.partial(
        pl.kernel, mesh=mesh,
        out_type=[
            jax.ShapeDtypeStruct((T_TOK, N_C), jnp.float32),
            jax.ShapeDtypeStruct((T_TOK, N_C), jnp.float32),
        ],
        scratch_types=[
            pltpu.VMEM((CHUNK, N_C), jnp.float32),
            pltpu.VMEM((CHUNK, N_C), jnp.float32),
            pltpu.VMEM((CHUNK,), jnp.int32),
            pltpu.VMEM((CHUNK,), jnp.int32),
            pltpu.SemaphoreType.DMA,
            pltpu.SemaphoreType.DMA,
        ],
    )
    def gather(os_hbm, p1_hbm, p2_hbm, g1_hbm, g2_hbm,
               rows1_v, rows2_v, i1_v, i2_v, sem1, sem2):
        wid = lax.axis_index("s") * 2 + lax.axis_index("c")
        base = wid * CHUNK
        pltpu.sync_copy(p1_hbm.at[wid], i1_v)
        pltpu.sync_copy(p2_hbm.at[wid], i2_v)
        cp1 = pltpu.async_copy(os_hbm.at[i1_v], rows1_v, sem1)
        cp2 = pltpu.async_copy(os_hbm.at[i2_v], rows2_v, sem2)
        cp1.wait()
        cp2.wait()
        pltpu.sync_copy(rows1_v, g1_hbm.at[pl.ds(base, CHUNK)])
        pltpu.sync_copy(rows2_v, g2_hbm.at[pl.ds(base, CHUNK)])

    return gather


def _combine_kernel(o1_ref, o2_ref, g1_ref, g2_ref, y_ref):
    acc = jnp.exp(o1_ref[...]) * g1_ref[0] + jnp.exp(o2_ref[...]) * g2_ref[0]
    y_ref[...] = jnp.log(jnp.where(acc == 0.0, _EPS_FLOOR, acc))


def _run_combine(o1, o2, g1, g2):
    return pl.pallas_call(
        _combine_kernel,
        grid=(N_RBLK,),
        in_specs=[
            pl.BlockSpec((RBLK, N_C), lambda t: (t, 0)),
            pl.BlockSpec((RBLK, N_C), lambda t: (t, 0)),
            pl.BlockSpec((1, RBLK, 1), lambda t: (t, 0, 0)),
            pl.BlockSpec((1, RBLK, 1), lambda t: (t, 0, 0)),
        ],
        out_specs=pl.BlockSpec((RBLK, N_C), lambda t: (t, 0)),
        out_shape=jax.ShapeDtypeStruct((T_TOK, N_C), jnp.float32),
    )(o1, o2, g1, g2)


@jax.jit
def kernel(x, prompt, w_g, w_n, fc1_w, fc1_b, fc2_w, fc2_b):
    del w_n
    B, C, H, W = x.shape

    xt = jnp.transpose(x, (0, 2, 3, 1)).reshape(T_TOK, C)
    ptb = jnp.repeat(prompt.astype(jnp.bfloat16), N_RBLK // B, axis=0
                     ).reshape(N_RBLK, 1, C)

    p1, p2, g1, g2, eob, loss = _run_router_call(xt, ptb, w_g)

    w32 = lambda a: a.reshape(NW, CHUNK)
    p1w, p2w = w32(p1), w32(p2)
    xs = _make_dispatch()(xt, p1w, p2w)

    o_s = _run_mlp(eob.reshape(64)[:N_MBLK], xs, fc1_w, fc1_b, fc2_w, fc2_b)

    o1, o2 = _make_gather()(o_s, p1w, p2w)

    y_flat = _run_combine(o1, o2, g1, g2)
    y = y_flat.reshape(B, H, W, C).transpose(0, 3, 1, 2)
    return y, loss


def _run_router_call(xt, ptb, w_g):
    whole = lambda t: (0, 0, 0)
    outs = pl.pallas_call(
        _router_kernel,
        grid=(N_RBLK,),
        in_specs=[
            pl.BlockSpec((RBLK, N_C), lambda t: (t, 0)),
            pl.BlockSpec((1, 1, N_C), lambda t: (t, 0, 0)),
            pl.BlockSpec((2 * N_C, N_E), lambda t: (0, 0)),
        ],
        out_specs=[
            pl.BlockSpec((N_RBLK, RBLK, 1), whole),
            pl.BlockSpec((N_RBLK, RBLK, 1), whole),
            pl.BlockSpec((1, RBLK, 1), lambda t: (t, 0, 0)),
            pl.BlockSpec((1, RBLK, 1), lambda t: (t, 0, 0)),
            pl.BlockSpec((64, 1), lambda t: (0, 0)),
            pl.BlockSpec(memory_space=pltpu.SMEM),
        ],
        out_shape=[
            jax.ShapeDtypeStruct((N_RBLK, RBLK, 1), jnp.int32),
            jax.ShapeDtypeStruct((N_RBLK, RBLK, 1), jnp.int32),
            jax.ShapeDtypeStruct((N_RBLK, RBLK, 1), jnp.float32),
            jax.ShapeDtypeStruct((N_RBLK, RBLK, 1), jnp.float32),
            jax.ShapeDtypeStruct((64, 1), jnp.int32),
            jax.ShapeDtypeStruct((1, 1), jnp.float32),
        ],
        scratch_shapes=[
            pltpu.VMEM((1, N_E), jnp.float32),
            pltpu.VMEM((1, N_E), jnp.float32),
            pltpu.VMEM((RBLK, RBLK), jnp.bfloat16),
            pltpu.VMEM((N_RBLK, RBLK, 1), jnp.float32),
            pltpu.VMEM((N_RBLK, RBLK, 1), jnp.float32),
            pltpu.VMEM((N_RBLK, RBLK, 1), jnp.int32),
            pltpu.VMEM((N_RBLK, RBLK, 1), jnp.int32),
        ],
    )(xt, ptb, w_g.astype(jnp.bfloat16))
    p1, p2, g1, g2, eob, loss = outs
    return p1, p2, g1, g2, eob, loss[0, 0]

# --- scband reference (transcript-rebuilt; emitter-appended) ---
"""Pipeline reference for scband-model-87771951661057 (READ-ONLY COPY).

The authoritative reference and input builder live on the scoring server;
editing this copy changes nothing except your own understanding.
"""

import jax, jax.numpy as jnp
import numpy as np


def _gelu(x):
    return jax.nn.gelu(x, approximate=False)


def _balance(v):
    eps = 1e-10
    return jnp.var(v, ddof=1) / (jnp.mean(v) ** 2 + eps)


def _forward(x, prompt, w_g, w_n, fc1_w, fc1_b, fc2_w, fc2_b):
    B, C, H, W = x.shape
    E = w_g.shape[1]
    k = 2
    # rearrange 'b c h w -> (b h w) c'
    xt = jnp.transpose(x, (0, 2, 3, 1)).reshape(-1, C)
    pt = jnp.broadcast_to(prompt[:, None, None, :], (B, H, W, C)).reshape(-1, C)
    x_p = jnp.concatenate([xt, pt], axis=1)
    # eval-mode routing (no noise): logits = x_p @ w_g
    logits = x_p @ w_g
    m = min(k + 1, E)
    top_logits, top_idx = jax.lax.top_k(logits, m)
    top_k_logits = top_logits[:, :k]
    top_k_idx = top_idx[:, :k]
    top_k_gates = jax.nn.softmax(top_k_logits, axis=1)
    T = logits.shape[0]
    w = jnp.zeros_like(logits).at[jnp.arange(T)[:, None], top_k_idx].set(top_k_gates)
    Weight = w.sum(0)
    s = jax.lax.stop_gradient((w > 0).sum(0).astype(jnp.float32))
    loss = _balance(Weight) + _balance(s)
    # expert compute + gated combine in log-space (math-equivalent to sparse dispatch):
    # ensemble[t] = sum_e exp(mlp_e(x_t)) * w[t, e]; then log with eps floor
    ensemble = jnp.zeros((T, C), dtype=jnp.float32)
    for e in range(E):
        h1 = _gelu(xt @ fc1_w[e].T + fc1_b[e])
        out_e = h1 @ fc2_w[e].T + fc2_b[e]
        ge = w[:, e:e + 1]
        ensemble = ensemble + jnp.exp(out_e) * ge
    ensemble = jnp.where(ensemble == 0, np.finfo(float).eps, ensemble)
    y = jnp.log(ensemble)
    y = y.reshape(B, H, W, C).transpose(0, 3, 1, 2)
    return y, loss


def setup_inputs(seed: int = 0) -> dict:
    key = jax.random.key(seed)
    ks = jax.random.split(key, 8)
    B, C, H, W = 4, 384, 32, 32
    E = 8
    hid = int(C * 4.0)
    bound1 = 1.0 / np.sqrt(C)
    bound2 = 1.0 / np.sqrt(hid)
    inp = {}
    inp["x"] = jax.random.normal(ks[0], (B, C, H, W), dtype=jnp.float32)
    inp["prompt"] = jax.random.normal(ks[1], (B, C), dtype=jnp.float32)
    inp["w_g"] = jax.random.normal(ks[2], (2 * C, E), dtype=jnp.float32)
    inp["w_n"] = jnp.zeros((2 * C, E), dtype=jnp.float32)
    inp["fc1_w"] = jax.random.uniform(ks[3], (E, hid, C), minval=-bound1, maxval=bound1, dtype=jnp.float32)
    inp["fc1_b"] = jax.random.uniform(ks[4], (E, hid), minval=-bound1, maxval=bound1, dtype=jnp.float32)
    inp["fc2_w"] = jax.random.uniform(ks[5], (E, C, hid), minval=-bound2, maxval=bound2, dtype=jnp.float32)
    inp["fc2_b"] = jax.random.uniform(ks[6], (E, C), minval=-bound2, maxval=bound2, dtype=jnp.float32)
    return inp


def reference(x, prompt, w_g, w_n, fc1_w, fc1_b, fc2_w, fc2_b):
    return _forward(x, prompt, w_g, w_n, fc1_w, fc1_b, fc2_w, fc2_b)

if __name__ == "__main__":
    import jax
    _d = setup_inputs()
    print(jax.jit(kernel)(*tuple(_d.values())))

</pallas_src>

<mosaic_0001>
#map = affine_map<(d0, d1) -> (0, 0)>
module attributes {stable_mosaic.version = 14 : i64} {
  func.func @gather(%arg0: i32, %arg1: i32, %arg2: memref<12288x384xf32, #tpu.memory_space<hbm>>, %arg3: memref<32x128xi32, #tpu.memory_space<hbm>>, %arg4: memref<32x128xi32, #tpu.memory_space<hbm>>, %arg5: memref<4096x384xf32, #tpu.memory_space<hbm>>, %arg6: memref<4096x384xf32, #tpu.memory_space<hbm>>, %arg7: memref<128x384xf32, #tpu.memory_space<vmem>>, %arg8: memref<128x384xf32, #tpu.memory_space<vmem>>, %arg9: memref<128xi32, #tpu.memory_space<vmem>>, %arg10: memref<128xi32, #tpu.memory_space<vmem>>, %arg11: memref<!tpu.dma_semaphore, #tpu.memory_space<semaphore_mem>>, %arg12: memref<!tpu.dma_semaphore, #tpu.memory_space<semaphore_mem>>) attributes {dimension_semantics = [#tpu.dimension_semantics<core_parallel>, #tpu.dimension_semantics<subcore_parallel>], iteration_bounds = array<i64: 2, 16>, scalar_prefetch = 0 : i64, scratch_operands = 6 : i64, tpu.core_type = #tpu.core_type<sc_vector_subcore>, window_params = [{transform_indices = #map}, {transform_indices = #map}, {transform_indices = #map}, {transform_indices = #map}, {transform_indices = #map}]} {
    %mul3A = arith.constant 2 : i32
    %mul3A_0 = arith.muli %arg1, %mul3A : i32
    %add3A = arith.addi %mul3A_0, %arg0 : i32
    %mul3A_1 = arith.constant 128 : i32
    %mul3A_2 = arith.muli %add3A, %mul3A_1 : i32
    "tpu.region"() ({
      %run_scoped3A = tpu.sem_alloc : memref<!tpu.dma_semaphore, #tpu.memory_space<semaphore_mem>>
      %dma_start3A_13 = arith.constant 0 : i32
      %dma_start3A_14 = tpu.memref_slice %arg3[%add3A, %dma_start3A_13] : memref<32x128xi32, #tpu.memory_space<hbm>> -> memref<1x128xi32, #tpu.memory_space<hbm>>
      %dma_start3A_15 = tpu.memref_squeeze %dma_start3A_14 : memref<1x128xi32, #tpu.memory_space<hbm>> -> memref<128xi32, #tpu.memory_space<hbm>>
      %dma_start3A_16 = arith.constant 0 : i32
      %dma_start3A_17 = tpu.memref_slice %arg3[%add3A, %dma_start3A_16] : memref<32x128xi32, #tpu.memory_space<hbm>> -> memref<1x128xi32, #tpu.memory_space<hbm>>
      %dma_start3A_18 = tpu.memref_squeeze %dma_start3A_17 : memref<1x128xi32, #tpu.memory_space<hbm>> -> memref<128xi32, #tpu.memory_space<hbm>>
      tpu.enqueue_dma source(%dma_start3A_18 : memref<128xi32, #tpu.memory_space<hbm>>) target(%arg9 : memref<128xi32, #tpu.memory_space<vmem>>) target_semaphore(%run_scoped3A : memref<!tpu.dma_semaphore, #tpu.memory_space<semaphore_mem>>)
      %dma_wait3A_19 = arith.constant 0 : i32
      %dma_wait3A_20 = tpu.memref_slice %arg3[%add3A, %dma_wait3A_19] : memref<32x128xi32, #tpu.memory_space<hbm>> -> memref<1x128xi32, #tpu.memory_space<hbm>>
      %dma_wait3A_21 = tpu.memref_squeeze %dma_wait3A_20 : memref<1x128xi32, #tpu.memory_space<hbm>> -> memref<128xi32, #tpu.memory_space<hbm>>
      %dma_wait3A_22 = arith.constant 0 : i32
      %dma_wait3A_23 = tpu.memref_slice %arg3[%add3A, %dma_wait3A_22] : memref<32x128xi32, #tpu.memory_space<hbm>> -> memref<1x128xi32, #tpu.memory_space<hbm>>
      %dma_wait3A_24 = tpu.memref_squeeze %dma_wait3A_23 : memref<1x128xi32, #tpu.memory_space<hbm>> -> memref<128xi32, #tpu.memory_space<hbm>>
      tpu.wait_dma2 semaphore(%run_scoped3A : memref<!tpu.dma_semaphore, #tpu.memory_space<semaphore_mem>>) src(%dma_wait3A_24 : memref<128xi32, #tpu.memory_space<hbm>>) dst(%arg9 : memref<128xi32, #tpu.memory_space<vmem>>)
      tpu.yield
    }) : () -> ()
    "tpu.region"() ({
      %run_scoped3A = tpu.sem_alloc : memref<!tpu.dma_semaphore, #tpu.memory_space<semaphore_mem>>
      %dma_start3A_13 = arith.constant 0 : i32
      %dma_start3A_14 = tpu.memref_slice %arg4[%add3A, %dma_start3A_13] : memref<32x128xi32, #tpu.memory_space<hbm>> -> memref<1x128xi32, #tpu.memory_space<hbm>>
      %dma_start3A_15 = tpu.memref_squeeze %dma_start3A_14 : memref<1x128xi32, #tpu.memory_space<hbm>> -> memref<128xi32, #tpu.memory_space<hbm>>
      %dma_start3A_16 = arith.constant 0 : i32
      %dma_start3A_17 = tpu.memref_slice %arg4[%add3A, %dma_start3A_16] : memref<32x128xi32, #tpu.memory_space<hbm>> -> memref<1x128xi32, #tpu.memory_space<hbm>>
      %dma_start3A_18 = tpu.memref_squeeze %dma_start3A_17 : memref<1x128xi32, #tpu.memory_space<hbm>> -> memref<128xi32, #tpu.memory_space<hbm>>
      tpu.enqueue_dma source(%dma_start3A_18 : memref<128xi32, #tpu.memory_space<hbm>>) target(%arg10 : memref<128xi32, #tpu.memory_space<vmem>>) target_semaphore(%run_scoped3A : memref<!tpu.dma_semaphore, #tpu.memory_space<semaphore_mem>>)
      %dma_wait3A_19 = arith.constant 0 : i32
      %dma_wait3A_20 = tpu.memref_slice %arg4[%add3A, %dma_wait3A_19] : memref<32x128xi32, #tpu.memory_space<hbm>> -> memref<1x128xi32, #tpu.memory_space<hbm>>
      %dma_wait3A_21 = tpu.memref_squeeze %dma_wait3A_20 : memref<1x128xi32, #tpu.memory_space<hbm>> -> memref<128xi32, #tpu.memory_space<hbm>>
      %dma_wait3A_22 = arith.constant 0 : i32
      %dma_wait3A_23 = tpu.memref_slice %arg4[%add3A, %dma_wait3A_22] : memref<32x128xi32, #tpu.memory_space<hbm>> -> memref<1x128xi32, #tpu.memory_space<hbm>>
      %dma_wait3A_24 = tpu.memref_squeeze %dma_wait3A_23 : memref<1x128xi32, #tpu.memory_space<hbm>> -> memref<128xi32, #tpu.memory_space<hbm>>
      tpu.wait_dma2 semaphore(%run_scoped3A : memref<!tpu.dma_semaphore, #tpu.memory_space<semaphore_mem>>) src(%dma_wait3A_24 : memref<128xi32, #tpu.memory_space<hbm>>) dst(%arg10 : memref<128xi32, #tpu.memory_space<vmem>>)
      tpu.yield
    }) : () -> ()
    %dma_start3A = arith.constant 0 : i32
    %dma_start3A_3 = arith.constant 0 : i32
    %dma_start3A_4 = tpu.memref_slice %arg2[%dma_start3A, %dma_start3A_3] : memref<12288x384xf32, #tpu.memory_space<hbm>> -> memref<12288x384xf32, #tpu.memory_space<hbm>>
    tpu.enqueue_indirect_dma source(%dma_start3A_4 : memref<12288x384xf32, #tpu.memory_space<hbm>>) target(%arg7 : memref<128x384xf32, #tpu.memory_space<vmem>>) offsets(%arg9 : memref<128xi32, #tpu.memory_space<vmem>>) semaphore(%arg11 : memref<!tpu.dma_semaphore, #tpu.memory_space<semaphore_mem>>)
    %dma_start3A_5 = arith.constant 0 : i32
    %dma_start3A_6 = arith.constant 0 : i32
    %dma_start3A_7 = tpu.memref_slice %arg2[%dma_start3A_5, %dma_start3A_6] : memref<12288x384xf32, #tpu.memory_space<hbm>> -> memref<12288x384xf32, #tpu.memory_space<hbm>>
    tpu.enqueue_indirect_dma source(%dma_start3A_7 : memref<12288x384xf32, #tpu.memory_space<hbm>>) target(%arg8 : memref<128x384xf32, #tpu.memory_space<vmem>>) offsets(%arg10 : memref<128xi32, #tpu.memory_space<vmem>>) semaphore(%arg12 : memref<!tpu.dma_semaphore, #tpu.memory_space<semaphore_mem>>)
    %dma_wait3A = arith.constant 0 : i32
    %dma_wait3A_8 = arith.constant 0 : i32
    %dma_wait3A_9 = tpu.memref_slice %arg2[%dma_wait3A, %dma_wait3A_8] : memref<12288x384xf32, #tpu.memory_space<hbm>> -> memref<12288x384xf32, #tpu.memory_space<hbm>>
    tpu.wait_indirect_dma semaphore(%arg11 : memref<!tpu.dma_semaphore, #tpu.memory_space<semaphore_mem>>) src(%dma_wait3A_9 : memref<12288x384xf32, #tpu.memory_space<hbm>>) dst(%arg7 : memref<128x384xf32, #tpu.memory_space<vmem>>)
    %dma_wait3A_10 = arith.constant 0 : i32
    %dma_wait3A_11 = arith.constant 0 : i32
    %dma_wait3A_12 = tpu.memref_slice %arg2[%dma_wait3A_10, %dma_wait3A_11] : memref<12288x384xf32, #tpu.memory_space<hbm>> -> memref<12288x384xf32, #tpu.memory_space<hbm>>
    tpu.wait_indirect_dma semaphore(%arg12 : memref<!tpu.dma_semaphore, #tpu.memory_space<semaphore_mem>>) src(%dma_wait3A_12 : memref<12288x384xf32, #tpu.memory_space<hbm>>) dst(%arg8 : memref<128x384xf32, #tpu.memory_space<vmem>>)
    "tpu.region"() ({
      %run_scoped3A = tpu.sem_alloc : memref<!tpu.dma_semaphore, #tpu.memory_space<semaphore_mem>>
      %dma_start3A_13 = arith.constant 0 : i32
      %dma_start3A_14 = tpu.memref_slice %arg5[%mul3A_2, %dma_start3A_13] : memref<4096x384xf32, #tpu.memory_space<hbm>> -> memref<128x384xf32, #tpu.memory_space<hbm>>
      %dma_start3A_15 = arith.constant 0 : i32
      %dma_start3A_16 = tpu.memref_slice %arg5[%mul3A_2, %dma_start3A_15] : memref<4096x384xf32, #tpu.memory_space<hbm>> -> memref<128x384xf32, #tpu.memory_space<hbm>>
      tpu.enqueue_dma source(%arg7 : memref<128x384xf32, #tpu.memory_space<vmem>>) target(%dma_start3A_16 : memref<128x384xf32, #tpu.memory_space<hbm>>) target_semaphore(%run_scoped3A : memref<!tpu.dma_semaphore, #tpu.memory_space<semaphore_mem>>)
      %dma_wait3A_17 = arith.constant 0 : i32
      %dma_wait3A_18 = tpu.memref_slice %arg5[%mul3A_2, %dma_wait3A_17] : memref<4096x384xf32, #tpu.memory_space<hbm>> -> memref<128x384xf32, #tpu.memory_space<hbm>>
      %dma_wait3A_19 = arith.constant 0 : i32
      %dma_wait3A_20 = tpu.memref_slice %arg5[%mul3A_2, %dma_wait3A_19] : memref<4096x384xf32, #tpu.memory_space<hbm>> -> memref<128x384xf32, #tpu.memory_space<hbm>>
      tpu.wait_dma2 semaphore(%run_scoped3A : memref<!tpu.dma_semaphore, #tpu.memory_space<semaphore_mem>>) src(%arg7 : memref<128x384xf32, #tpu.memory_space<vmem>>) dst(%dma_wait3A_20 : memref<128x384xf32, #tpu.memory_space<hbm>>)
      tpu.yield
    }) : () -> ()
    "tpu.region"() ({
      %run_scoped3A = tpu.sem_alloc : memref<!tpu.dma_semaphore, #tpu.memory_space<semaphore_mem>>
      %dma_start3A_13 = arith.constant 0 : i32
      %dma_start3A_14 = tpu.memref_slice %arg6[%mul3A_2, %dma_start3A_13] : memref<4096x384xf32, #tpu.memory_space<hbm>> -> memref<128x384xf32, #tpu.memory_space<hbm>>
      %dma_start3A_15 = arith.constant 0 : i32
      %dma_start3A_16 = tpu.memref_slice %arg6[%mul3A_2, %dma_start3A_15] : memref<4096x384xf32, #tpu.memory_space<hbm>> -> memref<128x384xf32, #tpu.memory_space<hbm>>
      tpu.enqueue_dma source(%arg8 : memref<128x384xf32, #tpu.memory_space<vmem>>) target(%dma_start3A_16 : memref<128x384xf32, #tpu.memory_space<hbm>>) target_semaphore(%run_scoped3A : memref<!tpu.dma_semaphore, #tpu.memory_space<semaphore_mem>>)
      %dma_wait3A_17 = arith.constant 0 : i32
      %dma_wait3A_18 = tpu.memref_slice %arg6[%mul3A_2, %dma_wait3A_17] : memref<4096x384xf32, #tpu.memory_space<hbm>> -> memref<128x384xf32, #tpu.memory_space<hbm>>
      %dma_wait3A_19 = arith.constant 0 : i32
      %dma_wait3A_20 = tpu.memref_slice %arg6[%mul3A_2, %dma_wait3A_19] : memref<4096x384xf32, #tpu.memory_space<hbm>> -> memref<128x384xf32, #tpu.memory_space<hbm>>
      tpu.wait_dma2 semaphore(%run_scoped3A : memref<!tpu.dma_semaphore, #tpu.memory_space<semaphore_mem>>) src(%arg8 : memref<128x384xf32, #tpu.memory_space<vmem>>) dst(%dma_wait3A_20 : memref<128x384xf32, #tpu.memory_space<hbm>>)
      tpu.yield
    }) : () -> ()
    return
  }
}

#map = affine_map<(d0, d1) -> (0, 0)>
module attributes {stable_mosaic.version = 14 : i64} {
  func.func @dispatch(%arg0: i32, %arg1: i32, %arg2: memref<4096x384xf32, #tpu.memory_space<hbm>>, %arg3: memref<32x128xi32, #tpu.memory_space<hbm>>, %arg4: memref<32x128xi32, #tpu.memory_space<hbm>>, %arg5: memref<12288x384xf32, #tpu.memory_space<hbm>>, %arg6: memref<128x384xf32, #tpu.memory_space<vmem>>, %arg7: memref<128xi32, #tpu.memory_space<vmem>>, %arg8: memref<128xi32, #tpu.memory_space<vmem>>, %arg9: memref<!tpu.dma_semaphore, #tpu.memory_space<semaphore_mem>>, %arg10: memref<!tpu.dma_semaphore, #tpu.memory_space<semaphore_mem>>) attributes {dimension_semantics = [#tpu.dimension_semantics<core_parallel>, #tpu.dimension_semantics<subcore_parallel>], iteration_bounds = array<i64: 2, 16>, scalar_prefetch = 0 : i64, scratch_operands = 5 : i64, tpu.core_type = #tpu.core_type<sc_vector_subcore>, window_params = [{transform_indices = #map}, {transform_indices = #map}, {transform_indices = #map}, {transform_indices = #map}]} {
    %mul3A = arith.constant 2 : i32
    %mul3A_0 = arith.muli %arg1, %mul3A : i32
    %add3A = arith.addi %mul3A_0, %arg0 : i32
    %mul3A_1 = arith.constant 128 : i32
    %mul3A_2 = arith.muli %add3A, %mul3A_1 : i32
    "tpu.region"() ({
      %run_scoped3A = tpu.sem_alloc : memref<!tpu.dma_semaphore, #tpu.memory_space<semaphore_mem>>
      %dma_start3A_13 = arith.constant 0 : i32
      %dma_start3A_14 = tpu.memref_slice %arg2[%mul3A_2, %dma_start3A_13] : memref<4096x384xf32, #tpu.memory_space<hbm>> -> memref<128x384xf32, #tpu.memory_space<hbm>>
      %dma_start3A_15 = arith.constant 0 : i32
      %dma_start3A_16 = tpu.memref_slice %arg2[%mul3A_2, %dma_start3A_15] : memref<4096x384xf32, #tpu.memory_space<hbm>> -> memref<128x384xf32, #tpu.memory_space<hbm>>
      tpu.enqueue_dma source(%dma_start3A_16 : memref<128x384xf32, #tpu.memory_space<hbm>>) target(%arg6 : memref<128x384xf32, #tpu.memory_space<vmem>>) target_semaphore(%run_scoped3A : memref<!tpu.dma_semaphore, #tpu.memory_space<semaphore_mem>>)
      %dma_wait3A_17 = arith.constant 0 : i32
      %dma_wait3A_18 = tpu.memref_slice %arg2[%mul3A_2, %dma_wait3A_17] : memref<4096x384xf32, #tpu.memory_space<hbm>> -> memref<128x384xf32, #tpu.memory_space<hbm>>
      %dma_wait3A_19 = arith.constant 0 : i32
      %dma_wait3A_20 = tpu.memref_slice %arg2[%mul3A_2, %dma_wait3A_19] : memref<4096x384xf32, #tpu.memory_space<hbm>> -> memref<128x384xf32, #tpu.memory_space<hbm>>
      tpu.wait_dma2 semaphore(%run_scoped3A : memref<!tpu.dma_semaphore, #tpu.memory_space<semaphore_mem>>) src(%dma_wait3A_20 : memref<128x384xf32, #tpu.memory_space<hbm>>) dst(%arg6 : memref<128x384xf32, #tpu.memory_space<vmem>>)
      tpu.yield
    }) : () -> ()
    "tpu.region"() ({
      %run_scoped3A = tpu.sem_alloc : memref<!tpu.dma_semaphore, #tpu.memory_space<semaphore_mem>>
      %dma_start3A_13 = arith.constant 0 : i32
      %dma_start3A_14 = tpu.memref_slice %arg3[%add3A, %dma_start3A_13] : memref<32x128xi32, #tpu.memory_space<hbm>> -> memref<1x128xi32, #tpu.memory_space<hbm>>
      %dma_start3A_15 = tpu.memref_squeeze %dma_start3A_14 : memref<1x128xi32, #tpu.memory_space<hbm>> -> memref<128xi32, #tpu.memory_space<hbm>>
      %dma_start3A_16 = arith.constant 0 : i32
      %dma_start3A_17 = tpu.memref_slice %arg3[%add3A, %dma_start3A_16] : memref<32x128xi32, #tpu.memory_space<hbm>> -> memref<1x128xi32, #tpu.memory_space<hbm>>
      %dma_start3A_18 = tpu.memref_squeeze %dma_start3A_17 : memref<1x128xi32, #tpu.memory_space<hbm>> -> memref<128xi32, #tpu.memory_space<hbm>>
      tpu.enqueue_dma source(%dma_start3A_18 : memref<128xi32, #tpu.memory_space<hbm>>) target(%arg7 : memref<128xi32, #tpu.memory_space<vmem>>) target_semaphore(%run_scoped3A : memref<!tpu.dma_semaphore, #tpu.memory_space<semaphore_mem>>)
      %dma_wait3A_19 = arith.constant 0 : i32
      %dma_wait3A_20 = tpu.memref_slice %arg3[%add3A, %dma_wait3A_19] : memref<32x128xi32, #tpu.memory_space<hbm>> -> memref<1x128xi32, #tpu.memory_space<hbm>>
      %dma_wait3A_21 = tpu.memref_squeeze %dma_wait3A_20 : memref<1x128xi32, #tpu.memory_space<hbm>> -> memref<128xi32, #tpu.memory_space<hbm>>
      %dma_wait3A_22 = arith.constant 0 : i32
      %dma_wait3A_23 = tpu.memref_slice %arg3[%add3A, %dma_wait3A_22] : memref<32x128xi32, #tpu.memory_space<hbm>> -> memref<1x128xi32, #tpu.memory_space<hbm>>
      %dma_wait3A_24 = tpu.memref_squeeze %dma_wait3A_23 : memref<1x128xi32, #tpu.memory_space<hbm>> -> memref<128xi32, #tpu.memory_space<hbm>>
      tpu.wait_dma2 semaphore(%run_scoped3A : memref<!tpu.dma_semaphore, #tpu.memory_space<semaphore_mem>>) src(%dma_wait3A_24 : memref<128xi32, #tpu.memory_space<hbm>>) dst(%arg7 : memref<128xi32, #tpu.memory_space<vmem>>)
      tpu.yield
    }) : () -> ()
    "tpu.region"() ({
      %run_scoped3A = tpu.sem_alloc : memref<!tpu.dma_semaphore, #tpu.memory_space<semaphore_mem>>
      %dma_start3A_13 = arith.constant 0 : i32
      %dma_start3A_14 = tpu.memref_slice %arg4[%add3A, %dma_start3A_13] : memref<32x128xi32, #tpu.memory_space<hbm>> -> memref<1x128xi32, #tpu.memory_space<hbm>>
      %dma_start3A_15 = tpu.memref_squeeze %dma_start3A_14 : memref<1x128xi32, #tpu.memory_space<hbm>> -> memref<128xi32, #tpu.memory_space<hbm>>
      %dma_start3A_16 = arith.constant 0 : i32
      %dma_start3A_17 = tpu.memref_slice %arg4[%add3A, %dma_start3A_16] : memref<32x128xi32, #tpu.memory_space<hbm>> -> memref<1x128xi32, #tpu.memory_space<hbm>>
      %dma_start3A_18 = tpu.memref_squeeze %dma_start3A_17 : memref<1x128xi32, #tpu.memory_space<hbm>> -> memref<128xi32, #tpu.memory_space<hbm>>
      tpu.enqueue_dma source(%dma_start3A_18 : memref<128xi32, #tpu.memory_space<hbm>>) target(%arg8 : memref<128xi32, #tpu.memory_space<vmem>>) target_semaphore(%run_scoped3A : memref<!tpu.dma_semaphore, #tpu.memory_space<semaphore_mem>>)
      %dma_wait3A_19 = arith.constant 0 : i32
      %dma_wait3A_20 = tpu.memref_slice %arg4[%add3A, %dma_wait3A_19] : memref<32x128xi32, #tpu.memory_space<hbm>> -> memref<1x128xi32, #tpu.memory_space<hbm>>
      %dma_wait3A_21 = tpu.memref_squeeze %dma_wait3A_20 : memref<1x128xi32, #tpu.memory_space<hbm>> -> memref<128xi32, #tpu.memory_space<hbm>>
      %dma_wait3A_22 = arith.constant 0 : i32
      %dma_wait3A_23 = tpu.memref_slice %arg4[%add3A, %dma_wait3A_22] : memref<32x128xi32, #tpu.memory_space<hbm>> -> memref<1x128xi32, #tpu.memory_space<hbm>>
      %dma_wait3A_24 = tpu.memref_squeeze %dma_wait3A_23 : memref<1x128xi32, #tpu.memory_space<hbm>> -> memref<128xi32, #tpu.memory_space<hbm>>
      tpu.wait_dma2 semaphore(%run_scoped3A : memref<!tpu.dma_semaphore, #tpu.memory_space<semaphore_mem>>) src(%dma_wait3A_24 : memref<128xi32, #tpu.memory_space<hbm>>) dst(%arg8 : memref<128xi32, #tpu.memory_space<vmem>>)
      tpu.yield
    }) : () -> ()
    %dma_start3A = arith.constant 0 : i32
    %dma_start3A_3 = arith.constant 0 : i32
    %dma_start3A_4 = tpu.memref_slice %arg5[%dma_start3A, %dma_start3A_3] : memref<12288x384xf32, #tpu.memory_space<hbm>> -> memref<12288x384xf32, #tpu.memory_space<hbm>>
    tpu.enqueue_indirect_dma source(%arg6 : memref<128x384xf32, #tpu.memory_space<vmem>>) target(%dma_start3A_4 : memref<12288x384xf32, #tpu.memory_space<hbm>>) offsets(%arg7 : memref<128xi32, #tpu.memory_space<vmem>>) semaphore(%arg9 : memref<!tpu.dma_semaphore, #tpu.memory_space<semaphore_mem>>)
    %dma_start3A_5 = arith.constant 0 : i32
    %dma_start3A_6 = arith.constant 0 : i32
    %dma_start3A_7 = tpu.memref_slice %arg5[%dma_start3A_5, %dma_start3A_6] : memref<12288x384xf32, #tpu.memory_space<hbm>> -> memref<12288x384xf32, #tpu.memory_space<hbm>>
    tpu.enqueue_indirect_dma source(%arg6 : memref<128x384xf32, #tpu.memory_space<vmem>>) target(%dma_start3A_7 : memref<12288x384xf32, #tpu.memory_space<hbm>>) offsets(%arg8 : memref<128xi32, #tpu.memory_space<vmem>>) semaphore(%arg10 : memref<!tpu.dma_semaphore, #tpu.memory_space<semaphore_mem>>)
    %dma_wait3A = arith.constant 0 : i32
    %dma_wait3A_8 = arith.constant 0 : i32
    %dma_wait3A_9 = tpu.memref_slice %arg5[%dma_wait3A, %dma_wait3A_8] : memref<12288x384xf32, #tpu.memory_space<hbm>> -> memref<12288x384xf32, #tpu.memory_space<hbm>>
    tpu.wait_indirect_dma semaphore(%arg9 : memref<!tpu.dma_semaphore, #tpu.memory_space<semaphore_mem>>) src(%arg6 : memref<128x384xf32, #tpu.memory_space<vmem>>) dst(%dma_wait3A_9 : memref<12288x384xf32, #tpu.memory_space<hbm>>)
    %dma_wait3A_10 = arith.constant 0 : i32
    %dma_wait3A_11 = arith.constant 0 : i32
    %dma_wait3A_12 = tpu.memref_slice %arg5[%dma_wait3A_10, %dma_wait3A_11] : memref<12288x384xf32, #tpu.memory_space<hbm>> -> memref<12288x384xf32, #tpu.memory_space<hbm>>
    tpu.wait_indirect_dma semaphore(%arg10 : memref<!tpu.dma_semaphore, #tpu.memory_space<semaphore_mem>>) src(%arg6 : memref<128x384xf32, #tpu.memory_space<vmem>>) dst(%dma_wait3A_12 : memref<12288x384xf32, #tpu.memory_space<hbm>>)
    return
  }
}

module attributes {stable_mosaic.version = 14 : i64} {
  func.func @_router_kernel(%arg0: i32, %arg1: memref<1024x384xf32, #tpu.memory_space<vmem>>, %arg2: memref<1x1x384xbf16, #tpu.memory_space<vmem>>, %arg3: memref<768x8xbf16, #tpu.memory_space<vmem>>, %arg4: memref<4x1024x1xi32, #tpu.memory_space<vmem>>, %arg5: memref<4x1024x1xi32, #tpu.memory_space<vmem>>, %arg6: memref<1x1024x1xf32, #tpu.memory_space<vmem>>, %arg7: memref<1x1024x1xf32, #tpu.memory_space<vmem>>, %arg8: memref<64x1xi32, #tpu.memory_space<vmem>>, %arg9: memref<1x1xf32, #tpu.memory_space<smem>>, %arg10: memref<1x8xf32, #tpu.memory_space<vmem>>, %arg11: memref<1x8xf32, #tpu.memory_space<vmem>>, %arg12: memref<1024x1024xbf16, #tpu.memory_space<vmem>>, %arg13: memref<4x1024x1xf32, #tpu.memory_space<vmem>>, %arg14: memref<4x1024x1xf32, #tpu.memory_space<vmem>>, %arg15: memref<4x1024x1xi32, #tpu.memory_space<vmem>>, %arg16: memref<4x1024x1xi32, #tpu.memory_space<vmem>>) attributes {dimension_semantics = [#tpu.dimension_semantics<arbitrary>], iteration_bounds = array<i64: 4>, scalar_prefetch = 0 : i64, scratch_operands = 7 : i64, tpu.core_type = #tpu.core_type<tc>, window_params = [{transform_indices = @transform_0, window_bounds = array<i64: 1024, 384>}, {transform_indices = @transform_1, window_bounds = array<i64: 1, 1, 384>}, {pipeline_mode = #tpu.pipeline_mode<synchronous>, transform_indices = @transform_2, window_bounds = array<i64: 768, 8>}, {pipeline_mode = #tpu.pipeline_mode<synchronous>, transform_indices = @transform_3, window_bounds = array<i64: 4, 1024, 1>}, {pipeline_mode = #tpu.pipeline_mode<synchronous>, transform_indices = @transform_4, window_bounds = array<i64: 4, 1024, 1>}, {transform_indices = @transform_5, window_bounds = array<i64: 1, 1024, 1>}, {transform_indices = @transform_6, window_bounds = array<i64: 1, 1024, 1>}, {pipeline_mode = #tpu.pipeline_mode<synchronous>, transform_indices = @transform_7, window_bounds = array<i64: 64, 1>}, {transform_indices = @transform_8, window_bounds = array<i64: 1, 1>}]} {
    %eq3A = arith.constant 0 : i32
    %eq3A_0 = arith.cmpi eq, %arg0, %eq3A : i32
    %convert_element_type3A = arith.extui %eq3A_0 : i1 to i32
    %cond3A = arith.constant 0 : i32
    %cond3A_1 = arith.cmpi ne, %convert_element_type3A, %cond3A : i32
    scf.if %cond3A_1 {
      %broadcast_in_dim3A_125 = arith.constant 0.000000e+00 : f32
      %broadcast_in_dim3A_126 = vector.broadcast %broadcast_in_dim3A_125 : f32 to vector<1x8xf32>
      %swap3A_127 = arith.constant 0 : index
      %swap3A_128 = arith.constant 0 : index
      %swap3A_129 = vector.load %arg10[%swap3A_127, %swap3A_128] : memref<1x8xf32, #tpu.memory_space<vmem>>, vector<1x8xf32>
      tpu.vector_store %arg10[%swap3A_127, %swap3A_128], %broadcast_in_dim3A_126 {strides = array<i32>} : memref<1x8xf32, #tpu.memory_space<vmem>>, vector<1x8xf32>,
      %broadcast_in_dim3A_130 = arith.constant 0.000000e+00 : f32
      %broadcast_in_dim3A_131 = vector.broadcast %broadcast_in_dim3A_130 : f32 to vector<1x8xf32>
      %swap3A_132 = arith.constant 0 : index
      %swap3A_133 = arith.constant 0 : index
      %swap3A_134 = vector.load %arg11[%swap3A_132, %swap3A_133] : memref<1x8xf32, #tpu.memory_space<vmem>>, vector<1x8xf32>
      tpu.vector_store %arg11[%swap3A_132, %swap3A_133], %broadcast_in_dim3A_131 {strides = array<i32>} : memref<1x8xf32, #tpu.memory_space<vmem>>, vector<1x8xf32>,
      %iota3A_135 = tpu.iota {dimensions = array<i32: 0>} : vector<1024x1024xi32>
      %iota3A_136 = tpu.iota {dimensions = array<i32: 1>} : vector<1024x1024xi32>
      %lt3A = arith.cmpi slt, %iota3A_136, %iota3A_135 : vector<1024x1024xi32>
      %convert_element_type3A_137 = arith.extui %lt3A : vector<1024x1024xi1> to vector<1024x1024xi32>
      %convert_element_type3A_138 = arith.sitofp %convert_element_type3A_137 : vector<1024x1024xi32> to vector<1024x1024xf32>
      %convert_element_type3A_139 = arith.truncf %convert_element_type3A_138 : vector<1024x1024xf32> to vector<1024x1024xbf16>
      %swap3A_140 = arith.constant 0 : index
      %swap3A_141 = arith.constant 0 : index
      %swap3A_142 = vector.load %arg12[%swap3A_140, %swap3A_141] : memref<1024x1024xbf16, #tpu.memory_space<vmem>>, vector<1024x1024xbf16>
      tpu.vector_store %arg12[%swap3A_140, %swap3A_141], %convert_element_type3A_139 {strides = array<i32>} : memref<1024x1024xbf16, #tpu.memory_space<vmem>>, vector<1024x1024xbf16>,
    } else {
    }
    %get3A = arith.constant 0 : index
    %get3A_2 = arith.constant 0 : index
    %get3A_3 = vector.load %arg1[%get3A, %get3A_2] : memref<1024x384xf32, #tpu.memory_space<vmem>>, vector<1024x384xf32>
    %convert_element_type3A_4 = arith.truncf %get3A_3 : vector<1024x384xf32> to vector<1024x384xbf16>
    %get3A_5 = arith.constant 0 : index
    %get3A_6 = arith.constant 0 : index
    %get3A_7 = arith.constant 0 : index
    %get3A_8 = vector.load %arg2[%get3A_5, %get3A_6, %get3A_7] : memref<1x1x384xbf16, #tpu.memory_space<vmem>>, vector<1x1x384xbf16>
    %get3A_9 = vector.shape_cast %get3A_8 : vector<1x1x384xbf16> to vector<1x384xbf16>
    %broadcast_in_dim3A = vector.shape_cast %get3A_9 : vector<1x384xbf16> to vector<1x384xbf16>
    %broadcast_in_dim3A_10 = vector.broadcast %broadcast_in_dim3A : vector<1x384xbf16> to vector<1024x384xbf16>
    %concatenate3A = tpu.concatenate %convert_element_type3A_4, %broadcast_in_dim3A_10 in 1 : vector<1024x384xbf16>, vector<1024x384xbf16> -> vector<1024x768xbf16>
    %get3A_11 = arith.constant 0 : index
    %get3A_12 = arith.constant 0 : index
    %get3A_13 = vector.load %arg3[%get3A_11, %get3A_12] : memref<768x8xbf16, #tpu.memory_space<vmem>>, vector<768x8xbf16>
    %dot_general3A = arith.constant dense<0.000000e+00> : vector<1024x8xf32>
    %dot_general3A_14 = tpu.matmul %concatenate3A, %get3A_13, %dot_general3A {dimension_numbers = #tpu.dot_dimension_numbers<[1], [0], [0], [1], [0, 0, 1, 1], [], []>, transpose_lhs_hint = false} : vector<1024x768xbf16>, vector<768x8xbf16>, vector<1024x8xf32> -> vector<1024x8xf32>
    %iota3A = tpu.iota {dimensions = array<i32: 1>} : vector<1024x8xi32>
    %argmax3A = tpu.reduce_index %dot_general3A_14 {axis = 1 : i32, kind = #tpu.reduction_kind<arg_max>} : vector<1024x8xf32> -> vector<1024xi32>
    %broadcast_in_dim3A_15 = vector.shape_cast %argmax3A : vector<1024xi32> to vector<1024x1xi32>
    %reduce_max3A = arith.constant dense<0xFF800000> : vector<1024xf32>
    %reduce_max3A_16 = vector.multi_reduction <maximumf>, %dot_general3A_14, %reduce_max3A [1] : vector<1024x8xf32> to vector<1024xf32>
    %broadcast_in_dim3A_17 = vector.shape_cast %reduce_max3A_16 : vector<1024xf32> to vector<1024x1xf32>
    %eq3A_18 = vector.broadcast %broadcast_in_dim3A_15 : vector<1024x1xi32> to vector<1024x8xi32>
    %eq3A_19 = arith.cmpi eq, %iota3A, %eq3A_18 : vector<1024x8xi32>
    %jit3A = arith.constant 0xFF800000 : f32
    %broadcast_in_dim3A_20 = vector.broadcast %jit3A : f32 to vector<1024x8xf32>
    %select_n3A = arith.select %eq3A_19, %broadcast_in_dim3A_20, %dot_general3A_14 : vector<1024x8xi1>, vector<1024x8xf32>
    %argmax3A_21 = tpu.reduce_index %select_n3A {axis = 1 : i32, kind = #tpu.reduction_kind<arg_max>} : vector<1024x8xf32> -> vector<1024xi32>
    %broadcast_in_dim3A_22 = vector.shape_cast %argmax3A_21 : vector<1024xi32> to vector<1024x1xi32>
    %reduce_max3A_23 = arith.constant dense<0xFF800000> : vector<1024xf32>
    %reduce_max3A_24 = vector.multi_reduction <maximumf>, %select_n3A, %reduce_max3A_23 [1] : vector<1024x8xf32> to vector<1024xf32>
    %broadcast_in_dim3A_25 = vector.shape_cast %reduce_max3A_24 : vector<1024xf32> to vector<1024x1xf32>
    %sub3A = arith.subf %broadcast_in_dim3A_25, %broadcast_in_dim3A_17 : vector<1024x1xf32>
    %exp3A = math.exp %sub3A : vector<1024x1xf32>
    %add3A = arith.constant 1.000000e+00 : f32
    %add3A_26 = vector.broadcast %add3A : f32 to vector<1024x1xf32>
    %add3A_27 = arith.addf %add3A_26, %exp3A : vector<1024x1xf32>
    %div3A = arith.constant 1.000000e+00 : f32
    %div3A_28 = vector.broadcast %div3A : f32 to vector<1024x1xf32>
    %div3A_29 = arith.divf %div3A_28, %add3A_27 : vector<1024x1xf32>
    %add3A_30 = arith.constant 1.000000e+00 : f32
    %add3A_31 = vector.broadcast %add3A_30 : f32 to vector<1024x1xf32>
    %add3A_32 = arith.addf %add3A_31, %exp3A : vector<1024x1xf32>
    %div3A_33 = arith.divf %exp3A, %add3A_32 : vector<1024x1xf32>
    %eq3A_34 = vector.broadcast %broadcast_in_dim3A_15 : vector<1024x1xi32> to vector<1024x8xi32>
    %eq3A_35 = arith.cmpi eq, %iota3A, %eq3A_34 : vector<1024x8xi32>
    %convert_element_type3A_36 = arith.extui %eq3A_35 : vector<1024x8xi1> to vector<1024x8xi32>
    %convert_element_type3A_37 = arith.sitofp %convert_element_type3A_36 : vector<1024x8xi32> to vector<1024x8xf32>
    %eq3A_38 = vector.broadcast %broadcast_in_dim3A_22 : vector<1024x1xi32> to vector<1024x8xi32>
    %eq3A_39 = arith.cmpi eq, %iota3A, %eq3A_38 : vector<1024x8xi32>
    %convert_element_type3A_40 = arith.extui %eq3A_39 : vector<1024x8xi1> to vector<1024x8xi32>
    %convert_element_type3A_41 = arith.sitofp %convert_element_type3A_40 : vector<1024x8xi32> to vector<1024x8xf32>
    %add3A_42 = arith.addf %convert_element_type3A_37, %convert_element_type3A_41 : vector<1024x8xf32>
    %mul3A = vector.broadcast %div3A_29 : vector<1024x1xf32> to vector<1024x8xf32>
    %mul3A_43 = arith.mulf %convert_element_type3A_37, %mul3A : vector<1024x8xf32>
    %mul3A_44 = vector.broadcast %div3A_33 : vector<1024x1xf32> to vector<1024x8xf32>
    %mul3A_45 = arith.mulf %convert_element_type3A_41, %mul3A_44 : vector<1024x8xf32>
    %add3A_46 = arith.addf %mul3A_43, %mul3A_45 : vector<1024x8xf32>
    %get3A_47 = arith.constant 0 : index
    %get3A_48 = arith.constant 0 : index
    %get3A_49 = vector.load %arg10[%get3A_47, %get3A_48] : memref<1x8xf32, #tpu.memory_space<vmem>>, vector<1x8xf32>
    %get3A_50 = arith.constant 0 : index
    %get3A_51 = arith.constant 0 : index
    %get3A_52 = vector.load %arg12[%get3A_50, %get3A_51] : memref<1024x1024xbf16, #tpu.memory_space<vmem>>, vector<1024x1024xbf16>
    %convert_element_type3A_53 = arith.truncf %add3A_42 : vector<1024x8xf32> to vector<1024x8xbf16>
    %dot_general3A_54 = arith.constant dense<0.000000e+00> : vector<1024x8xf32>
    %dot_general3A_55 = tpu.matmul %get3A_52, %convert_element_type3A_53, %dot_general3A_54 {dimension_numbers = #tpu.dot_dimension_numbers<[1], [0], [0], [1], [0, 0, 1, 1], [], []>, transpose_lhs_hint = false} : vector<1024x1024xbf16>, vector<1024x8xbf16>, vector<1024x8xf32> -> vector<1024x8xf32>
    %add3A_56 = vector.broadcast %get3A_49 : vector<1x8xf32> to vector<1024x8xf32>
    %add3A_57 = arith.addf %add3A_56, %dot_general3A_55 : vector<1024x8xf32>
    %mul3A_58 = arith.mulf %convert_element_type3A_37, %add3A_57 : vector<1024x8xf32>
    %reduce_sum3A = arith.constant dense<0.000000e+00> : vector<1024xf32>
    %reduce_sum3A_59 = vector.multi_reduction <add>, %mul3A_58, %reduce_sum3A [1] : vector<1024x8xf32> to vector<1024xf32>
    %broadcast_in_dim3A_60 = vector.shape_cast %reduce_sum3A_59 : vector<1024xf32> to vector<1024x1xf32>
    %swap3A = arith.index_cast %arg0 : i32 to index
    %swap3A_61 = arith.constant 0 : index
    %swap3A_62 = arith.constant 0 : index
    %swap3A_63 = vector.load %arg13[%swap3A, %swap3A_61, %swap3A_62] : memref<4x1024x1xf32, #tpu.memory_space<vmem>>, vector<1x1024x1xf32>
    %swap3A_64 = vector.shape_cast %swap3A_63 : vector<1x1024x1xf32> to vector<1024x1xf32>
    %swap3A_65 = vector.shape_cast %broadcast_in_dim3A_60 : vector<1024x1xf32> to vector<1x1024x1xf32>
    tpu.vector_store %arg13[%swap3A, %swap3A_61, %swap3A_62], %swap3A_65 {strides = array<i32>} : memref<4x1024x1xf32, #tpu.memory_space<vmem>>, vector<1x1024x1xf32>,
    %mul3A_66 = arith.mulf %convert_element_type3A_41, %add3A_57 : vector<1024x8xf32>
    %reduce_sum3A_67 = arith.constant dense<0.000000e+00> : vector<1024xf32>
    %reduce_sum3A_68 = vector.multi_reduction <add>, %mul3A_66, %reduce_sum3A_67 [1] : vector<1024x8xf32> to vector<1024xf32>
    %broadcast_in_dim3A_69 = vector.shape_cast %reduce_sum3A_68 : vector<1024xf32> to vector<1024x1xf32>
    %swap3A_70 = arith.index_cast %arg0 : i32 to index
    %swap3A_71 = arith.constant 0 : index
    %swap3A_72 = arith.constant 0 : index
    %swap3A_73 = vector.load %arg14[%swap3A_70, %swap3A_71, %swap3A_72] : memref<4x1024x1xf32, #tpu.memory_space<vmem>>, vector<1x1024x1xf32>
    %swap3A_74 = vector.shape_cast %swap3A_73 : vector<1x1024x1xf32> to vector<1024x1xf32>
    %swap3A_75 = vector.shape_cast %broadcast_in_dim3A_69 : vector<1024x1xf32> to vector<1x1024x1xf32>
    tpu.vector_store %arg14[%swap3A_70, %swap3A_71, %swap3A_72], %swap3A_75 {strides = array<i32>} : memref<4x1024x1xf32, #tpu.memory_space<vmem>>, vector<1x1024x1xf32>,
    %swap3A_76 = arith.index_cast %arg0 : i32 to index
    %swap3A_77 = arith.constant 0 : index
    %swap3A_78 = arith.constant 0 : index
    %swap3A_79 = vector.load %arg15[%swap3A_76, %swap3A_77, %swap3A_78] : memref<4x1024x1xi32, #tpu.memory_space<vmem>>, vector<1x1024x1xi32>
    %swap3A_80 = vector.shape_cast %swap3A_79 : vector<1x1024x1xi32> to vector<1024x1xi32>
    %swap3A_81 = vector.shape_cast %broadcast_in_dim3A_15 : vector<1024x1xi32> to vector<1x1024x1xi32>
    tpu.vector_store %arg15[%swap3A_76, %swap3A_77, %swap3A_78], %swap3A_81 {strides = array<i32>} : memref<4x1024x1xi32, #tpu.memory_space<vmem>>, vector<1x1024x1xi32>,
    %swap3A_82 = arith.index_cast %arg0 : i32 to index
    %swap3A_83 = arith.constant 0 : index
    %swap3A_84 = arith.constant 0 : index
    %swap3A_85 = vector.load %arg16[%swap3A_82, %swap3A_83, %swap3A_84] : memref<4x1024x1xi32, #tpu.memory_space<vmem>>, vector<1x1024x1xi32>
    %swap3A_86 = vector.shape_cast %swap3A_85 : vector<1x1024x1xi32> to vector<1024x1xi32>
    %swap3A_87 = vector.shape_cast %broadcast_in_dim3A_22 : vector<1024x1xi32> to vector<1x1024x1xi32>
    tpu.vector_store %arg16[%swap3A_82, %swap3A_83, %swap3A_84], %swap3A_87 {strides = array<i32>} : memref<4x1024x1xi32, #tpu.memory_space<vmem>>, vector<1x1024x1xi32>,
    %swap3A_88 = arith.constant 0 : index
    %swap3A_89 = arith.constant 0 : index
    %swap3A_90 = arith.constant 0 : index
    %swap3A_91 = vector.load %arg6[%swap3A_88, %swap3A_89, %swap3A_90] : memref<1x1024x1xf32, #tpu.memory_space<vmem>>, vector<1x1024x1xf32>
    %swap3A_92 = vector.shape_cast %swap3A_91 : vector<1x1024x1xf32> to vector<1024x1xf32>
    %swap3A_93 = vector.shape_cast %div3A_29 : vector<1024x1xf32> to vector<1x1024x1xf32>
    tpu.vector_store %arg6[%swap3A_88, %swap3A_89, %swap3A_90], %swap3A_93 {strides = array<i32>} : memref<1x1024x1xf32, #tpu.memory_space<vmem>>, vector<1x1024x1xf32>,
    %swap3A_94 = arith.constant 0 : index
    %swap3A_95 = arith.constant 0 : index
    %swap3A_96 = arith.constant 0 : index
    %swap3A_97 = vector.load %arg7[%swap3A_94, %swap3A_95, %swap3A_96] : memref<1x1024x1xf32, #tpu.memory_space<vmem>>, vector<1x1024x1xf32>
    %swap3A_98 = vector.shape_cast %swap3A_97 : vector<1x1024x1xf32> to vector<1024x1xf32>
    %swap3A_99 = vector.shape_cast %div3A_33 : vector<1024x1xf32> to vector<1x1024x1xf32>
    tpu.vector_store %arg7[%swap3A_94, %swap3A_95, %swap3A_96], %swap3A_99 {strides = array<i32>} : memref<1x1024x1xf32, #tpu.memory_space<vmem>>, vector<1x1024x1xf32>,
    %get3A_100 = arith.constant 0 : index
    %get3A_101 = arith.constant 0 : index
    %get3A_102 = vector.load %arg10[%get3A_100, %get3A_101] : memref<1x8xf32, #tpu.memory_space<vmem>>, vector<1x8xf32>
    %reduce_sum3A_103 = arith.constant dense<0.000000e+00> : vector<8xf32>
    %reduce_sum3A_104 = vector.multi_reduction <add>, %add3A_42, %reduce_sum3A_103 [0] : vector<1024x8xf32> to vector<8xf32>
    %broadcast_in_dim3A_105 = vector.shape_cast %reduce_sum3A_104 : vector<8xf32> to vector<1x8xf32>
    %add3A_106 = arith.addf %get3A_102, %broadcast_in_dim3A_105 : vector<1x8xf32>
    %swap3A_107 = arith.constant 0 : index
    %swap3A_108 = arith.constant 0 : index
    %swap3A_109 = vector.load %arg10[%swap3A_107, %swap3A_108] : memref<1x8xf32, #tpu.memory_space<vmem>>, vector<1x8xf32>
    tpu.vector_store %arg10[%swap3A_107, %swap3A_108], %add3A_106 {strides = array<i32>} : memref<1x8xf32, #tpu.memory_space<vmem>>, vector<1x8xf32>,
    %get3A_110 = arith.constant 0 : index
    %get3A_111 = arith.constant 0 : index
    %get3A_112 = vector.load %arg11[%get3A_110, %get3A_111] : memref<1x8xf32, #tpu.memory_space<vmem>>, vector<1x8xf32>
    %reduce_sum3A_113 = arith.constant dense<0.000000e+00> : vector<8xf32>
    %reduce_sum3A_114 = vector.multi_reduction <add>, %add3A_46, %reduce_sum3A_113 [0] : vector<1024x8xf32> to vector<8xf32>
    %broadcast_in_dim3A_115 = vector.shape_cast %reduce_sum3A_114 : vector<8xf32> to vector<1x8xf32>
    %add3A_116 = arith.addf %get3A_112, %broadcast_in_dim3A_115 : vector<1x8xf32>
    %swap3A_117 = arith.constant 0 : index
    %swap3A_118 = arith.constant 0 : index
    %swap3A_119 = vector.load %arg11[%swap3A_117, %swap3A_118] : memref<1x8xf32, #tpu.memory_space<vmem>>, vector<1x8xf32>
    tpu.vector_store %arg11[%swap3A_117, %swap3A_118], %add3A_116 {strides = array<i32>} : memref<1x8xf32, #tpu.memory_space<vmem>>, vector<1x8xf32>,
    %eq3A_120 = arith.constant 3 : i32
    %eq3A_121 = arith.cmpi eq, %arg0, %eq3A_120 : i32
    %convert_element_type3A_122 = arith.extui %eq3A_121 : i1 to i32
    %cond3A_123 = arith.constant 0 : i32
    %cond3A_124 = arith.cmpi ne, %convert_element_type3A_122, %cond3A_123 : i32
    scf.if %cond3A_124 {
      %get3A_125 = arith.constant 0 : index
      %get3A_126 = arith.constant 0 : index
      %get3A_127 = vector.load %arg10[%get3A_125, %get3A_126] : memref<1x8xf32, #tpu.memory_space<vmem>>, vector<1x8xf32>
      %add3A_128 = arith.constant 5.110000e+02 : f32
      %add3A_129 = vector.broadcast %add3A_128 : f32 to vector<1x8xf32>
      %add3A_130 = arith.addf %get3A_127, %add3A_129 : vector<1x8xf32>
      %mul3A_131 = arith.constant 0.001953125 : f32
      %mul3A_132 = vector.broadcast %mul3A_131 : f32 to vector<1x8xf32>
      %mul3A_133 = arith.mulf %add3A_130, %mul3A_132 : vector<1x8xf32>
      %floor3A = math.floor %mul3A_133 : vector<1x8xf32>
      %mul3A_134 = arith.constant 5.120000e+02 : f32
      %mul3A_135 = vector.broadcast %mul3A_134 : f32 to vector<1x8xf32>
      %mul3A_136 = arith.mulf %floor3A, %mul3A_135 : vector<1x8xf32>
      %iota3A_137 = tpu.iota {dimensions = array<i32: 0>} : vector<8x8xi32>
      %iota3A_138 = tpu.iota {dimensions = array<i32: 1>} : vector<8x8xi32>
      %lt3A = arith.cmpi slt, %iota3A_137, %iota3A_138 : vector<8x8xi32>
      %convert_element_type3A_139 = arith.extui %lt3A : vector<8x8xi1> to vector<8x8xi32>
      %convert_element_type3A_140 = arith.sitofp %convert_element_type3A_139 : vector<8x8xi32> to vector<8x8xf32>
      %convert_element_type3A_141 = arith.truncf %convert_element_type3A_140 : vector<8x8xf32> to vector<8x8xbf16>
      %broadcast_in_dim3A_142 = vector.shape_cast %mul3A_136 : vector<1x8xf32> to vector<1x8xf32>
      %broadcast_in_dim3A_143 = vector.broadcast %broadcast_in_dim3A_142 : vector<1x8xf32> to vector<8x8xf32>
      %convert_element_type3A_144 = arith.truncf %broadcast_in_dim3A_143 : vector<8x8xf32> to vector<8x8xbf16>
      %dot_general3A_145 = arith.constant dense<0.000000e+00> : vector<8x8xf32>
      %dot_general3A_146 = tpu.matmul %convert_element_type3A_144, %convert_element_type3A_141, %dot_general3A_145 {dimension_numbers = #tpu.dot_dimension_numbers<[1], [0], [0], [1], [0, 0, 1, 1], [], []>, transpose_lhs_hint = false} : vector<8x8xbf16>, vector<8x8xbf16>, vector<8x8xf32> -> vector<8x8xf32>
      %slice3A = vector.extract_strided_slice %dot_general3A_146 {offsets = [0, 0], sizes = [1, 8], strides = [1, 1]} : vector<8x8xf32> to vector<1x8xf32>
      %reduce_sum3A_147 = vector.shape_cast %mul3A_136 : vector<1x8xf32> to vector<1x1x8xf32>
      %reduce_sum3A_148 = arith.constant dense<0.000000e+00> : vector<1xf32>
      %reduce_sum3A_149 = vector.multi_reduction <add>, %reduce_sum3A_147, %reduce_sum3A_148 [1, 2] : vector<1x1x8xf32> to vector<1xf32>
      %reduce_sum3A_150 = vector.shape_cast %reduce_sum3A_149 : vector<1xf32> to vector<1x1x1xf32>
      %reduce_sum3A_151 = vector.extract %reduce_sum3A_150[0, 0, 0] : f32 from vector<1x1x1xf32>
      %iota3A_152 = tpu.iota {dimensions = array<i32: 0>} : vector<64x1xi32>
      %convert_element_type3A_153 = arith.sitofp %iota3A_152 : vector<64x1xi32> to vector<64x1xf32>
      %broadcast_in_dim3A_154 = vector.shape_cast %slice3A : vector<1x8xf32> to vector<1x8xf32>
      %broadcast_in_dim3A_155 = vector.broadcast %broadcast_in_dim3A_154 : vector<1x8xf32> to vector<64x8xf32>
      %mul3A_156 = arith.constant 5.120000e+02 : f32
      %mul3A_157 = vector.broadcast %mul3A_156 : f32 to vector<64x1xf32>
      %mul3A_158 = arith.mulf %convert_element_type3A_153, %mul3A_157 : vector<64x1xf32>
      %ge3A = vector.broadcast %mul3A_158 : vector<64x1xf32> to vector<64x8xf32>
      %ge3A_159 = arith.cmpf oge, %ge3A, %broadcast_in_dim3A_155 : vector<64x8xf32>
      %convert_element_type3A_160 = arith.extui %ge3A_159 : vector<64x8xi1> to vector<64x8xi32>
      %convert_element_type3A_161 = arith.sitofp %convert_element_type3A_160 : vector<64x8xi32> to vector<64x8xf32>
      %reduce_sum3A_162 = arith.constant dense<0.000000e+00> : vector<64xf32>
      %reduce_sum3A_163 = vector.multi_reduction <add>, %convert_element_type3A_161, %reduce_sum3A_162 [1] : vector<64x8xf32> to vector<64xf32>
      %broadcast_in_dim3A_164 = vector.shape_cast %reduce_sum3A_163 : vector<64xf32> to vector<64x1xf32>
      %sub3A_165 = arith.constant 1.000000e+00 : f32
      %sub3A_166 = vector.broadcast %sub3A_165 : f32 to vector<64x1xf32>
      %sub3A_167 = arith.subf %broadcast_in_dim3A_164, %sub3A_166 : vector<64x1xf32>
      %convert_element_type3A_168 = arith.fptosi %sub3A_167 : vector<64x1xf32> to vector<64x1xi32>
      %mul3A_169 = arith.constant 5.120000e+02 : f32
      %mul3A_170 = vector.broadcast %mul3A_169 : f32 to vector<64x1xf32>
      %mul3A_171 = arith.mulf %convert_element_type3A_153, %mul3A_170 : vector<64x1xf32>
      %lt3A_172 = vector.broadcast %reduce_sum3A_151 : f32 to vector<64x1xf32>
      %lt3A_173 = arith.cmpf olt, %mul3A_171, %lt3A_172 : vector<64x1xf32>
      %jit3A_174 = arith.constant -1 : i32
      %broadcast_in_dim3A_175 = vector.broadcast %jit3A_174 : i32 to vector<64x1xi32>
      %select_n3A_176 = arith.select %lt3A_173, %convert_element_type3A_168, %broadcast_in_dim3A_175 : vector<64x1xi1>, vector<64x1xi32>
      %swap3A_177 = arith.constant 0 : index
      %swap3A_178 = arith.constant 0 : index
      %swap3A_179 = vector.load %arg8[%swap3A_177, %swap3A_178] : memref<64x1xi32, #tpu.memory_space<vmem>>, vector<64x1xi32>
      tpu.vector_store %arg8[%swap3A_177, %swap3A_178], %select_n3A_176 {strides = array<i32>} : memref<64x1xi32, #tpu.memory_space<vmem>>, vector<64x1xi32>,
      %iota3A_180 = tpu.iota {dimensions = array<i32: 1>} : vector<4096x8xi32>
      %broadcast_in_dim3A_181 = vector.shape_cast %slice3A : vector<1x8xf32> to vector<1x8xf32>
      %broadcast_in_dim3A_182 = vector.broadcast %broadcast_in_dim3A_181 : vector<1x8xf32> to vector<4096x8xf32>
      %get3A_183 = arith.constant 0 : index
      %get3A_184 = arith.constant 0 : index
      %get3A_185 = arith.constant 0 : index
      %get3A_186 = vector.load %arg15[%get3A_183, %get3A_184, %get3A_185] : memref<4x1024x1xi32, #tpu.memory_space<vmem>>, vector<4x1024x1xi32>
      %reshape3A = vector.shape_cast %get3A_186 : vector<4x1024x1xi32> to vector<4096x1xi32>
      %get3A_187 = arith.constant 0 : index
      %get3A_188 = arith.constant 0 : index
      %get3A_189 = arith.constant 0 : index
      %get3A_190 = vector.load %arg16[%get3A_187, %get3A_188, %get3A_189] : memref<4x1024x1xi32, #tpu.memory_space<vmem>>, vector<4x1024x1xi32>
      %reshape3A_191 = vector.shape_cast %get3A_190 : vector<4x1024x1xi32> to vector<4096x1xi32>
      %eq3A_192 = vector.broadcast %reshape3A : vector<4096x1xi32> to vector<4096x8xi32>
      %eq3A_193 = arith.cmpi eq, %iota3A_180, %eq3A_192 : vector<4096x8xi32>
      %jit3A_194 = arith.constant 0.000000e+00 : f32
      %broadcast_in_dim3A_195 = vector.broadcast %jit3A_194 : f32 to vector<4096x8xf32>
      %select_n3A_196 = arith.select %eq3A_193, %broadcast_in_dim3A_182, %broadcast_in_dim3A_195 : vector<4096x8xi1>, vector<4096x8xf32>
      %reduce_sum3A_197 = arith.constant dense<0.000000e+00> : vector<4096xf32>
      %reduce_sum3A_198 = vector.multi_reduction <add>, %select_n3A_196, %reduce_sum3A_197 [1] : vector<4096x8xf32> to vector<4096xf32>
      %broadcast_in_dim3A_199 = vector.shape_cast %reduce_sum3A_198 : vector<4096xf32> to vector<4096x1xf32>
      %eq3A_200 = vector.broadcast %reshape3A_191 : vector<4096x1xi32> to vector<4096x8xi32>
      %eq3A_201 = arith.cmpi eq, %iota3A_180, %eq3A_200 : vector<4096x8xi32>
      %jit3A_202 = arith.constant 0.000000e+00 : f32
      %broadcast_in_dim3A_203 = vector.broadcast %jit3A_202 : f32 to vector<4096x8xf32>
      %select_n3A_204 = arith.select %eq3A_201, %broadcast_in_dim3A_182, %broadcast_in_dim3A_203 : vector<4096x8xi1>, vector<4096x8xf32>
      %reduce_sum3A_205 = arith.constant dense<0.000000e+00> : vector<4096xf32>
      %reduce_sum3A_206 = vector.multi_reduction <add>, %select_n3A_204, %reduce_sum3A_205 [1] : vector<4096x8xf32> to vector<4096xf32>
      %broadcast_in_dim3A_207 = vector.shape_cast %reduce_sum3A_206 : vector<4096xf32> to vector<4096x1xf32>
      %get3A_208 = arith.constant 0 : index
      %get3A_209 = arith.constant 0 : index
      %get3A_210 = arith.constant 0 : index
      %get3A_211 = vector.load %arg13[%get3A_208, %get3A_209, %get3A_210] : memref<4x1024x1xf32, #tpu.memory_space<vmem>>, vector<4x1024x1xf32>
      %reshape3A_212 = vector.shape_cast %get3A_211 : vector<4x1024x1xf32> to vector<4096x1xf32>
      %add3A_213 = arith.addf %reshape3A_212, %broadcast_in_dim3A_199 : vector<4096x1xf32>
      %convert_element_type3A_214 = arith.fptosi %add3A_213 : vector<4096x1xf32> to vector<4096x1xi32>
      %get3A_215 = arith.constant 0 : index
      %get3A_216 = arith.constant 0 : index
      %get3A_217 = arith.constant 0 : index
      %get3A_218 = vector.load %arg14[%get3A_215, %get3A_216, %get3A_217] : memref<4x1024x1xf32, #tpu.memory_space<vmem>>, vector<4x1024x1xf32>
      %reshape3A_219 = vector.shape_cast %get3A_218 : vector<4x1024x1xf32> to vector<4096x1xf32>
      %add3A_220 = arith.addf %reshape3A_219, %broadcast_in_dim3A_207 : vector<4096x1xf32>
      %convert_element_type3A_221 = arith.fptosi %add3A_220 : vector<4096x1xf32> to vector<4096x1xi32>
      %reshape3A_222 = vector.shape_cast %convert_element_type3A_214 : vector<4096x1xi32> to vector<4x1024x1xi32>
      %swap3A_223 = arith.constant 0 : index
      %swap3A_224 = arith.constant 0 : index
      %swap3A_225 = arith.constant 0 : index
      %swap3A_226 = vector.load %arg4[%swap3A_223, %swap3A_224, %swap3A_225] : memref<4x1024x1xi32, #tpu.memory_space<vmem>>, vector<4x1024x1xi32>
      tpu.vector_store %arg4[%swap3A_223, %swap3A_224, %swap3A_225], %reshape3A_222 {strides = array<i32>} : memref<4x1024x1xi32, #tpu.memory_space<vmem>>, vector<4x1024x1xi32>,
      %reshape3A_227 = vector.shape_cast %convert_element_type3A_221 : vector<4096x1xi32> to vector<4x1024x1xi32>
      %swap3A_228 = arith.constant 0 : index
      %swap3A_229 = arith.constant 0 : index
      %swap3A_230 = arith.constant 0 : index
      %swap3A_231 = vector.load %arg5[%swap3A_228, %swap3A_229, %swap3A_230] : memref<4x1024x1xi32, #tpu.memory_space<vmem>>, vector<4x1024x1xi32>
      tpu.vector_store %arg5[%swap3A_228, %swap3A_229, %swap3A_230], %reshape3A_227 {strides = array<i32>} : memref<4x1024x1xi32, #tpu.memory_space<vmem>>, vector<4x1024x1xi32>,
      %get3A_232 = arith.constant 0 : index
      %get3A_233 = arith.constant 0 : index
      %get3A_234 = vector.load %arg11[%get3A_232, %get3A_233] : memref<1x8xf32, #tpu.memory_space<vmem>>, vector<1x8xf32>
      %get3A_235 = vector.shape_cast %get3A_234 : vector<1x8xf32> to vector<8xf32>
      %reduce_sum3A_236 = vector.shape_cast %get3A_235 : vector<8xf32> to vector<1x8xf32>
      %reduce_sum3A_237 = arith.constant dense<0.000000e+00> : vector<1xf32>
      %reduce_sum3A_238 = vector.multi_reduction <add>, %reduce_sum3A_236, %reduce_sum3A_237 [1] : vector<1x8xf32> to vector<1xf32>
      %reduce_sum3A_239 = vector.shape_cast %reduce_sum3A_238 : vector<1xf32> to vector<1x1xf32>
      %reduce_sum3A_240 = vector.extract %reduce_sum3A_239[0, 0] : f32 from vector<1x1xf32>
      %div3A_241 = arith.constant 8.000000e+00 : f32
      %div3A_242 = arith.divf %reduce_sum3A_240, %div3A_241 : f32
      %sub3A_243 = vector.broadcast %div3A_242 : f32 to vector<8xf32>
      %sub3A_244 = arith.subf %get3A_235, %sub3A_243 : vector<8xf32>
      %integer_pow3A = arith.mulf %sub3A_244, %sub3A_244 : vector<8xf32>
      %reduce_sum3A_245 = vector.shape_cast %integer_pow3A : vector<8xf32> to vector<1x8xf32>
      %reduce_sum3A_246 = arith.constant dense<0.000000e+00> : vector<1xf32>
      %reduce_sum3A_247 = vector.multi_reduction <add>, %reduce_sum3A_245, %reduce_sum3A_246 [1] : vector<1x8xf32> to vector<1xf32>
      %reduce_sum3A_248 = vector.shape_cast %reduce_sum3A_247 : vector<1xf32> to vector<1x1xf32>
      %reduce_sum3A_249 = vector.extract %reduce_sum3A_248[0, 0] : f32 from vector<1x1xf32>
      %div3A_250 = arith.constant 7.000000e+00 : f32
      %div3A_251 = arith.divf %reduce_sum3A_249, %div3A_250 : f32
      %mul3A_252 = arith.mulf %div3A_242, %div3A_242 : f32
      %add3A_253 = arith.constant 1.000000e-10 : f32
      %add3A_254 = arith.addf %mul3A_252, %add3A_253 : f32
      %div3A_255 = arith.divf %div3A_251, %add3A_254 : f32
      %squeeze3A = vector.shape_cast %get3A_127 : vector<1x8xf32> to vector<8xf32>
      %reduce_sum3A_256 = vector.shape_cast %squeeze3A : vector<8xf32> to vector<1x8xf32>
      %reduce_sum3A_257 = arith.constant dense<0.000000e+00> : vector<1xf32>
      %reduce_sum3A_258 = vector.multi_reduction <add>, %reduce_sum3A_256, %reduce_sum3A_257 [1] : vector<1x8xf32> to vector<1xf32>
      %reduce_sum3A_259 = vector.shape_cast %reduce_sum3A_258 : vector<1xf32> to vector<1x1xf32>
      %reduce_sum3A_260 = vector.extract %reduce_sum3A_259[0, 0] : f32 from vector<1x1xf32>
      %div3A_261 = arith.constant 8.000000e+00 : f32
      %div3A_262 = arith.divf %reduce_sum3A_260, %div3A_261 : f32
      %sub3A_263 = vector.broadcast %div3A_262 : f32 to vector<8xf32>
      %sub3A_264 = arith.subf %squeeze3A, %sub3A_263 : vector<8xf32>
      %integer_pow3A_265 = arith.mulf %sub3A_264, %sub3A_264 : vector<8xf32>
      %reduce_sum3A_266 = vector.shape_cast %integer_pow3A_265 : vector<8xf32> to vector<1x8xf32>
      %reduce_sum3A_267 = arith.constant dense<0.000000e+00> : vector<1xf32>
      %reduce_sum3A_268 = vector.multi_reduction <add>, %reduce_sum3A_266, %reduce_sum3A_267 [1] : vector<1x8xf32> to vector<1xf32>
      %reduce_sum3A_269 = vector.shape_cast %reduce_sum3A_268 : vector<1xf32> to vector<1x1xf32>
      %reduce_sum3A_270 = vector.extract %reduce_sum3A_269[0, 0] : f32 from vector<1x1xf32>
      %div3A_271 = arith.constant 7.000000e+00 : f32
      %div3A_272 = arith.divf %reduce_sum3A_270, %div3A_271 : f32
      %mul3A_273 = arith.mulf %div3A_262, %div3A_262 : f32
      %add3A_274 = arith.constant 1.000000e-10 : f32
      %add3A_275 = arith.addf %mul3A_273, %add3A_274 : f32
      %div3A_276 = arith.divf %div3A_272, %add3A_275 : f32
      %add3A_277 = arith.addf %div3A_255, %div3A_276 : f32
      %swap3A_278 = arith.constant 0 : index
      %swap3A_279 = arith.constant 0 : index
      %swap3A_280 = memref.load %arg9[%swap3A_278, %swap3A_279] : memref<1x1xf32, #tpu.memory_space<smem>>
      memref.store %add3A_277, %arg9[%swap3A_278, %swap3A_279] : memref<1x1xf32, #tpu.memory_space<smem>>
    } else {
    }
    return
  }
  func.func @transform_0(%arg0: i32) -> (i32, i32) {
    %c0_i32 = arith.constant 0 : i32
    %c0_i32_0 = arith.constant 0 : i32
    return %arg0, %c0_i32 : i32, i32
  }
  func.func @transform_1(%arg0: i32) -> (i32, i32, i32) {
    %c0_i32 = arith.constant 0 : i32
    %c0_i32_0 = arith.constant 0 : i32
    %c0_i32_1 = arith.constant 0 : i32
    return %arg0, %c0_i32, %c0_i32_0 : i32, i32, i32
  }
  func.func @transform_2(%arg0: i32) -> (i32, i32) {
    %c0_i32 = arith.constant 0 : i32
    %c0_i32_0 = arith.constant 0 : i32
    %c0_i32_1 = arith.constant 0 : i32
    return %c0_i32, %c0_i32_0 : i32, i32
  }
  func.func @transform_3(%arg0: i32) -> (i32, i32, i32) {
    %c0_i32 = arith.constant 0 : i32
    %c0_i32_0 = arith.constant 0 : i32
    %c0_i32_1 = arith.constant 0 : i32
    %c0_i32_2 = arith.constant 0 : i32
    return %c0_i32, %c0_i32_0, %c0_i32_1 : i32, i32, i32
  }
  func.func @transform_4(%arg0: i32) -> (i32, i32, i32) {
    %c0_i32 = arith.constant 0 : i32
    %c0_i32_0 = arith.constant 0 : i32
    %c0_i32_1 = arith.constant 0 : i32
    %c0_i32_2 = arith.constant 0 : i32
    return %c0_i32, %c0_i32_0, %c0_i32_1 : i32, i32, i32
  }
  func.func @transform_5(%arg0: i32) -> (i32, i32, i32) {
    %c0_i32 = arith.constant 0 : i32
    %c0_i32_0 = arith.constant 0 : i32
    %c0_i32_1 = arith.constant 0 : i32
    return %arg0, %c0_i32, %c0_i32_0 : i32, i32, i32
  }
  func.func @transform_6(%arg0: i32) -> (i32, i32, i32) {
    %c0_i32 = arith.constant 0 : i32
    %c0_i32_0 = arith.constant 0 : i32
    %c0_i32_1 = arith.constant 0 : i32
    return %arg0, %c0_i32, %c0_i32_0 : i32, i32, i32
  }
  func.func @transform_7(%arg0: i32) -> (i32, i32) {
    %c0_i32 = arith.constant 0 : i32
    %c0_i32_0 = arith.constant 0 : i32
    %c0_i32_1 = arith.constant 0 : i32
    return %c0_i32, %c0_i32_0 : i32, i32
  }
  func.func @transform_8(%arg0: i32) -> (i32, i32) {
    %c0_i32 = arith.constant 0 : i32
    %c0_i32_0 = arith.constant 0 : i32
    %c0_i32_1 = arith.constant 0 : i32
    return %c0_i32, %c0_i32_0 : i32, i32
  }
}

module attributes {stable_mosaic.version = 14 : i64} {
  func.func @_mlp_kernel(%arg0: i32, %arg1: memref<24xi32, #tpu.memory_space<smem>>, %arg2: memref<512x384xf32, #tpu.memory_space<vmem>>, %arg3: memref<8x1536x384xbf16, #tpu.memory_space<vmem>>, %arg4: memref<8x1x1536xf32, #tpu.memory_space<vmem>>, %arg5: memref<8x384x1536xbf16, #tpu.memory_space<vmem>>, %arg6: memref<8x1x384xf32, #tpu.memory_space<vmem>>, %arg7: memref<512x384xf32, #tpu.memory_space<vmem>>) attributes {dimension_semantics = [#tpu.dimension_semantics<arbitrary>], iteration_bounds = array<i64: 24>, scalar_prefetch = 1 : i64, scratch_operands = 0 : i64, tpu.core_type = #tpu.core_type<tc>, window_params = [{transform_indices = @transform_0, window_bounds = array<i64: 512, 384>}, {pipeline_mode = #tpu.pipeline_mode<synchronous>, transform_indices = @transform_1, window_bounds = array<i64: 8, 1536, 384>}, {pipeline_mode = #tpu.pipeline_mode<synchronous>, transform_indices = @transform_2, window_bounds = array<i64: 8, 1, 1536>}, {pipeline_mode = #tpu.pipeline_mode<synchronous>, transform_indices = @transform_3, window_bounds = array<i64: 8, 384, 1536>}, {pipeline_mode = #tpu.pipeline_mode<synchronous>, transform_indices = @transform_4, window_bounds = array<i64: 8, 1, 384>}, {transform_indices = @transform_5, window_bounds = array<i64: 512, 384>}]} {
    %get3A = arith.index_cast %arg0 : i32 to index
    %get3A_0 = memref.load %arg1[%get3A] : memref<24xi32, #tpu.memory_space<smem>>
    %ge3A = arith.constant 0 : i32
    %ge3A_1 = arith.cmpi sge, %get3A_0, %ge3A : i32
    %convert_element_type3A = arith.extui %ge3A_1 : i1 to i32
    %cond3A = arith.constant 0 : i32
    %cond3A_2 = arith.cmpi ne, %convert_element_type3A, %cond3A : i32
    scf.if %cond3A_2 {
      %get3A_3 = arith.constant 0 : index
      %get3A_4 = arith.constant 0 : index
      %get3A_5 = vector.load %arg2[%get3A_3, %get3A_4] : memref<512x384xf32, #tpu.memory_space<vmem>>, vector<512x384xf32>
      %convert_element_type3A_6 = arith.truncf %get3A_5 : vector<512x384xf32> to vector<512x384xbf16>
      %get3A_7 = arith.index_cast %get3A_0 : i32 to index
      %get3A_8 = arith.constant 0 : index
      %get3A_9 = arith.constant 0 : index
      %get3A_10 = vector.load %arg3[%get3A_7, %get3A_8, %get3A_9] : memref<8x1536x384xbf16, #tpu.memory_space<vmem>>, vector<1x1536x384xbf16>
      %get3A_11 = vector.shape_cast %get3A_10 : vector<1x1536x384xbf16> to vector<1536x384xbf16>
      %dot_general3A = arith.constant dense<0.000000e+00> : vector<512x1536xf32>
      %dot_general3A_12 = tpu.matmul %convert_element_type3A_6, %get3A_11, %dot_general3A {dimension_numbers = #tpu.dot_dimension_numbers<[1], [1], [0], [0], [0, 0, 1, 0], [], []>, transpose_lhs_hint = false} : vector<512x384xbf16>, vector<1536x384xbf16>, vector<512x1536xf32> -> vector<512x1536xf32>
      %get3A_13 = arith.index_cast %get3A_0 : i32 to index
      %get3A_14 = arith.constant 0 : index
      %get3A_15 = arith.constant 0 : index
      %get3A_16 = vector.load %arg4[%get3A_13, %get3A_14, %get3A_15] : memref<8x1x1536xf32, #tpu.memory_space<vmem>>, vector<1x1x1536xf32>
      %get3A_17 = vector.shape_cast %get3A_16 : vector<1x1x1536xf32> to vector<1x1536xf32>
      %add3A = vector.broadcast %get3A_17 : vector<1x1536xf32> to vector<512x1536xf32>
      %add3A_18 = arith.addf %dot_general3A_12, %add3A : vector<512x1536xf32>
      %mul3A = arith.constant 5.000000e-01 : f32
      %mul3A_19 = vector.broadcast %mul3A : f32 to vector<512x1536xf32>
      %mul3A_20 = arith.mulf %add3A_18, %mul3A_19 : vector<512x1536xf32>
      %mul3A_21 = arith.constant 0.707106769 : f32
      %mul3A_22 = vector.broadcast %mul3A_21 : f32 to vector<512x1536xf32>
      %mul3A_23 = arith.mulf %add3A_18, %mul3A_22 : vector<512x1536xf32>
      %erf3A = math.erf %mul3A_23 : vector<512x1536xf32>
      %add3A_24 = arith.constant 1.000000e+00 : f32
      %add3A_25 = vector.broadcast %add3A_24 : f32 to vector<512x1536xf32>
      %add3A_26 = arith.addf %add3A_25, %erf3A : vector<512x1536xf32>
      %mul3A_27 = arith.mulf %mul3A_20, %add3A_26 : vector<512x1536xf32>
      %convert_element_type3A_28 = arith.truncf %mul3A_27 : vector<512x1536xf32> to vector<512x1536xbf16>
      %get3A_29 = arith.index_cast %get3A_0 : i32 to index
      %get3A_30 = arith.constant 0 : index
      %get3A_31 = arith.constant 0 : index
      %get3A_32 = vector.load %arg5[%get3A_29, %get3A_30, %get3A_31] : memref<8x384x1536xbf16, #tpu.memory_space<vmem>>, vector<1x384x1536xbf16>
      %get3A_33 = vector.shape_cast %get3A_32 : vector<1x384x1536xbf16> to vector<384x1536xbf16>
      %dot_general3A_34 = arith.constant dense<0.000000e+00> : vector<512x384xf32>
      %dot_general3A_35 = tpu.matmul %convert_element_type3A_28, %get3A_33, %dot_general3A_34 {dimension_numbers = #tpu.dot_dimension_numbers<[1], [1], [0], [0], [0, 0, 1, 0], [], []>, transpose_lhs_hint = false} : vector<512x1536xbf16>, vector<384x1536xbf16>, vector<512x384xf32> -> vector<512x384xf32>
      %get3A_36 = arith.index_cast %get3A_0 : i32 to index
      %get3A_37 = arith.constant 0 : index
      %get3A_38 = arith.constant 0 : index
      %get3A_39 = vector.load %arg6[%get3A_36, %get3A_37, %get3A_38] : memref<8x1x384xf32, #tpu.memory_space<vmem>>, vector<1x1x384xf32>
      %get3A_40 = vector.shape_cast %get3A_39 : vector<1x1x384xf32> to vector<1x384xf32>
      %add3A_41 = vector.broadcast %get3A_40 : vector<1x384xf32> to vector<512x384xf32>
      %add3A_42 = arith.addf %dot_general3A_35, %add3A_41 : vector<512x384xf32>
      %swap3A = arith.constant 0 : index
      %swap3A_43 = arith.constant 0 : index
      %swap3A_44 = vector.load %arg7[%swap3A, %swap3A_43] : memref<512x384xf32, #tpu.memory_space<vmem>>, vector<512x384xf32>
      tpu.vector_store %arg7[%swap3A, %swap3A_43], %add3A_42 {strides = array<i32>} : memref<512x384xf32, #tpu.memory_space<vmem>>, vector<512x384xf32>,
    } else {
    }
    return
  }
  func.func @transform_0(%arg0: i32, %arg1: memref<24xi32, #tpu.memory_space<smem>>) -> (i32, i32) {
    %c0_i32 = arith.constant 0 : i32
    %c0_i32_0 = arith.constant 0 : i32
    return %arg0, %c0_i32 : i32, i32
  }
  func.func @transform_1(%arg0: i32, %arg1: memref<24xi32, #tpu.memory_space<smem>>) -> (i32, i32, i32) {
    %c0_i32 = arith.constant 0 : i32
    %c0_i32_0 = arith.constant 0 : i32
    %c0_i32_1 = arith.constant 0 : i32
    %c0_i32_2 = arith.constant 0 : i32
    return %c0_i32, %c0_i32_0, %c0_i32_1 : i32, i32, i32
  }
  func.func @transform_2(%arg0: i32, %arg1: memref<24xi32, #tpu.memory_space<smem>>) -> (i32, i32, i32) {
    %c0_i32 = arith.constant 0 : i32
    %c0_i32_0 = arith.constant 0 : i32
    %c0_i32_1 = arith.constant 0 : i32
    %c0_i32_2 = arith.constant 0 : i32
    return %c0_i32, %c0_i32_0, %c0_i32_1 : i32, i32, i32
  }
  func.func @transform_3(%arg0: i32, %arg1: memref<24xi32, #tpu.memory_space<smem>>) -> (i32, i32, i32) {
    %c0_i32 = arith.constant 0 : i32
    %c0_i32_0 = arith.constant 0 : i32
    %c0_i32_1 = arith.constant 0 : i32
    %c0_i32_2 = arith.constant 0 : i32
    return %c0_i32, %c0_i32_0, %c0_i32_1 : i32, i32, i32
  }
  func.func @transform_4(%arg0: i32, %arg1: memref<24xi32, #tpu.memory_space<smem>>) -> (i32, i32, i32) {
    %c0_i32 = arith.constant 0 : i32
    %c0_i32_0 = arith.constant 0 : i32
    %c0_i32_1 = arith.constant 0 : i32
    %c0_i32_2 = arith.constant 0 : i32
    return %c0_i32, %c0_i32_0, %c0_i32_1 : i32, i32, i32
  }
  func.func @transform_5(%arg0: i32, %arg1: memref<24xi32, #tpu.memory_space<smem>>) -> (i32, i32) {
    %c0_i32 = arith.constant 0 : i32
    %c0_i32_0 = arith.constant 0 : i32
    return %arg0, %c0_i32 : i32, i32
  }
}

module attributes {stable_mosaic.version = 14 : i64} {
  func.func @_combine_kernel(%arg0: i32, %arg1: memref<1024x384xf32, #tpu.memory_space<vmem>>, %arg2: memref<1024x384xf32, #tpu.memory_space<vmem>>, %arg3: memref<1x1024x1xf32, #tpu.memory_space<vmem>>, %arg4: memref<1x1024x1xf32, #tpu.memory_space<vmem>>, %arg5: memref<1024x384xf32, #tpu.memory_space<vmem>>) attributes {dimension_semantics = [#tpu.dimension_semantics<arbitrary>], iteration_bounds = array<i64: 4>, scalar_prefetch = 0 : i64, scratch_operands = 0 : i64, tpu.core_type = #tpu.core_type<tc>, window_params = [{transform_indices = @transform_0, window_bounds = array<i64: 1024, 384>}, {transform_indices = @transform_1, window_bounds = array<i64: 1024, 384>}, {transform_indices = @transform_2, window_bounds = array<i64: 1, 1024, 1>}, {transform_indices = @transform_3, window_bounds = array<i64: 1, 1024, 1>}, {transform_indices = @transform_4, window_bounds = array<i64: 1024, 384>}]} {
    %get3A = arith.constant 0 : index
    %get3A_0 = arith.constant 0 : index
    %get3A_1 = vector.load %arg1[%get3A, %get3A_0] : memref<1024x384xf32, #tpu.memory_space<vmem>>, vector<1024x384xf32>
    %exp3A = math.exp %get3A_1 : vector<1024x384xf32>
    %get3A_2 = arith.constant 0 : index
    %get3A_3 = arith.constant 0 : index
    %get3A_4 = arith.constant 0 : index
    %get3A_5 = vector.load %arg3[%get3A_2, %get3A_3, %get3A_4] : memref<1x1024x1xf32, #tpu.memory_space<vmem>>, vector<1x1024x1xf32>
    %get3A_6 = vector.shape_cast %get3A_5 : vector<1x1024x1xf32> to vector<1024x1xf32>
    %mul3A = vector.broadcast %get3A_6 : vector<1024x1xf32> to vector<1024x384xf32>
    %mul3A_7 = arith.mulf %exp3A, %mul3A : vector<1024x384xf32>
    %get3A_8 = arith.constant 0 : index
    %get3A_9 = arith.constant 0 : index
    %get3A_10 = vector.load %arg2[%get3A_8, %get3A_9] : memref<1024x384xf32, #tpu.memory_space<vmem>>, vector<1024x384xf32>
    %exp3A_11 = math.exp %get3A_10 : vector<1024x384xf32>
    %get3A_12 = arith.constant 0 : index
    %get3A_13 = arith.constant 0 : index
    %get3A_14 = arith.constant 0 : index
    %get3A_15 = vector.load %arg4[%get3A_12, %get3A_13, %get3A_14] : memref<1x1024x1xf32, #tpu.memory_space<vmem>>, vector<1x1024x1xf32>
    %get3A_16 = vector.shape_cast %get3A_15 : vector<1x1024x1xf32> to vector<1024x1xf32>
    %mul3A_17 = vector.broadcast %get3A_16 : vector<1024x1xf32> to vector<1024x384xf32>
    %mul3A_18 = arith.mulf %exp3A_11, %mul3A_17 : vector<1024x384xf32>
    %add3A = arith.addf %mul3A_7, %mul3A_18 : vector<1024x384xf32>
    %eq3A = arith.constant 0.000000e+00 : f32
    %eq3A_19 = vector.broadcast %eq3A : f32 to vector<1024x384xf32>
    %eq3A_20 = arith.cmpf oeq, %add3A, %eq3A_19 : vector<1024x384xf32>
    %jit3A = arith.constant 2.22044605E-16 : f32
    %broadcast_in_dim3A = vector.broadcast %jit3A : f32 to vector<1024x384xf32>
    %select_n3A = arith.select %eq3A_20, %broadcast_in_dim3A, %add3A : vector<1024x384xi1>, vector<1024x384xf32>
    %log3A = math.log %select_n3A : vector<1024x384xf32>
    %swap3A = arith.constant 0 : index
    %swap3A_21 = arith.constant 0 : index
    %swap3A_22 = vector.load %arg5[%swap3A, %swap3A_21] : memref<1024x384xf32, #tpu.memory_space<vmem>>, vector<1024x384xf32>
    tpu.vector_store %arg5[%swap3A, %swap3A_21], %log3A {strides = array<i32>} : memref<1024x384xf32, #tpu.memory_space<vmem>>, vector<1024x384xf32>,
    return
  }
  func.func @transform_0(%arg0: i32) -> (i32, i32) {
    %c0_i32 = arith.constant 0 : i32
    %c0_i32_0 = arith.constant 0 : i32
    return %arg0, %c0_i32 : i32, i32
  }
  func.func @transform_1(%arg0: i32) -> (i32, i32) {
    %c0_i32 = arith.constant 0 : i32
    %c0_i32_0 = arith.constant 0 : i32
    return %arg0, %c0_i32 : i32, i32
  }
  func.func @transform_2(%arg0: i32) -> (i32, i32, i32) {
    %c0_i32 = arith.constant 0 : i32
    %c0_i32_0 = arith.constant 0 : i32
    %c0_i32_1 = arith.constant 0 : i32
    return %arg0, %c0_i32, %c0_i32_0 : i32, i32, i32
  }
  func.func @transform_3(%arg0: i32) -> (i32, i32, i32) {
    %c0_i32 = arith.constant 0 : i32
    %c0_i32_0 = arith.constant 0 : i32
    %c0_i32_1 = arith.constant 0 : i32
    return %arg0, %c0_i32, %c0_i32_0 : i32, i32, i32
  }
  func.func @transform_4(%arg0: i32) -> (i32, i32) {
    %c0_i32 = arith.constant 0 : i32
    %c0_i32_0 = arith.constant 0 : i32
    return %arg0, %c0_i32 : i32, i32
  }
}

</mosaic_0001>

<sc_bundles>
// kernel: kernel.10.cloned.1.call-start
scs
__scs_entry_jumppad:
0x0: {  	(pc) =	sbr.rel $0x88, $3  }
0x1: {  	(tag) =	ssettag $0x0;
	lr =	simm.s32 $0x1  }
0x2: {  	[smem:$0x3F9A] =	sst lr;
	_ =	strace $0xD0000000  }
0x3: {  	_ = 	snop  }
0x4: {  	_ = 	snop  }
0x5: {  	_ = 	snop  }
0x6: {  	_ = 	snop  }
0x7: {  	_ = 	snop  }
__scs_overlays_trampoline_lowered:
0x8: {  	[smem:$0x3FA9] =	sst s0  }
0x9: {  	[smem:$0x3FAA] =	sst s1  }
0xa: {  	[smem:$0x3FAB] =	sst s2  }
0xb: {  	[smem:$0x3FAC] =	sst s3  }
0xc: {  	[smem:$0x3FAD] =	sst s4  }
0xd: {  	[smem:$0x3FAE] =	sst s5  }
0xe: {  	[smem:$0x3FAF] =	sst s6  }
0xf: {  	[smem:$0x3FB0] =	sst s7  }
0x10: {  	[smem:$0x3FB1] =	sst s8  }
0x11: {  	[smem:$0x3FB2] =	sst s9;
	s0 =	simm.s32 @!p0 $0x0  }
0x12: {  	s1 =	sld [smem:$0x3F98];
	s0 =	simm.s32 @p0 $0x1  }
0x13: {  	[smem:$0x3FB3] =	sst s0;
	s0 =	simm.s32 @!p1 $0x0  }
0x14: {  	s2 =	sld [smem:$0x3F97];
	s0 =	simm.s32 @p1 $0x1  }
0x15: {  	[smem:$0x3FB4] =	sst s0;
	s0 =	simm.s32 @!p2 $0x0  }
0x16: {  	s3 =	sld [smem:$0x3FDB];
	s0 =	simm.s32 @p2 $0x1  }
0x17: {  	s4 =	simm.s32 $0x1BF5;
	[smem:$0x3FB6] =	sst s0  }
0x18: {  	s0 =	sld [smem:$0x3F99];
	_ =	swait.ge [sflag:s4], $0x0  }
0x19: {  	s7 =	sld [smem:$0x3F9A]  }
0x1a: {  	s8 =	sadd.s32 $0xFFFFE003, lr  }
0x1b: {  	s9 =	sadd.s32 $0xFFFFFEF7, lr;
	s5 =	simm.s32 $0xFFFFFFFF;
	p2 =	slt.u32 s8, $0xFFFFF086  }
0x1c: {  	p1 =	slt.u32 s9, $0xF7A;
	s5 =	simm.s32 @!p2 $0x0  }
0x1d: {  	s5 =	simm.s32 @p1 $0x1;
	p0 =	seq.s32 s7, s2  }
0x1e: {  	s7 =	smul.u32 @!p0 $0xF7A, s2;
	p2 =	seq.s32 @!p0 s5, $0x0  }
0x1f: {  	s9 =	smul.u32 $0xF7A, s1;
	s8 =	simm.s32 @!p0 $0x1BF5;
	p2 =	por !p2, p0  }
0x20: {  	[sflag:s8] =	ssyncset.s32 @!p0 $0xFFFFF086;
	s6 =	sadd.s32 @!p0 s3, s7;
	s7 =	simm.s32 @!p0 $0x108  }
0x21: {  	s3 =	sadd.s32 s3, s9;
	s6 =	sadd.s32 @!p0 $0x88, s6;
	s7 =	simm.s32 @p2 $0x1082  }
0x22: {  	[simem:s7], [sflag:s8] =	dma.local @!p0 [hbm:s6], $0xF7A  }
0x23: {  	s9 =	sor.u32 $0xD0000000, s2;
	s6 =	simm.s32 $0x108;
	_ =	swait.ge @!p0 [sflag:s8], $0x0  }
0x24: {  	s3 =	sadd.s32 $0x88, s3;
	s6 =	simm.s32 @!p1 $0x1082;
	[sflag:s4] =	ssyncset.s32 $0xFFFFF086  }
0x25: {  	[simem:s6], [sflag:s4] =	dma.local [hbm:s3], $0xF7A  }
0x26: {  	[smem:$0x3F9A] =	sst s1;
	(tag) =	ssettag s2;
	_ =	strace s9  }
0x27: {  	s1 =	sld [smem:$0x3FAA]  }
0x28: {  	s2 =	sld [smem:$0x3FAB]  }
0x29: {  	s4 =	sld [smem:$0x3FAD]  }
0x2a: {  	p0 =	seq.s32 s5, $0x0;
	s5 =	sld [smem:$0x3FAE]  }
0x2b: {  	s6 =	sld [smem:$0x3FAF]  }
0x2c: {  	s7 =	sld [smem:$0x3FB0]  }
0x2d: {  	s3 =	simm.s32 $0x108;
	s8 =	sld [smem:$0x3FB1]  }
0x2e: {  	s3 =	simm.s32 @!p0 $0x1082;
	s9 =	sld [smem:$0x3FB2]  }
0x2f: {  	lr =	sadd.s32 s0, s3;
	s0 =	sld [smem:$0x3FA9]  }
0x30: {  	s3 =	sld [smem:$0x3FAC]  }
0x31: {  	[smem:$0x3FB5] =	sst s10  }
0x32: {  	s10 =	sld [smem:$0x3FB3];
	_ =	sdelay $0x3  }
0x33: {  	p0 =	seq.s32 s10, $0x1;
	s10 =	sld [smem:$0x3FB5];
	_ =	sdelay $0x3  }
0x34: {  	[smem:$0x3FB5] =	sst s10  }
0x35: {  	s10 =	sld [smem:$0x3FB4];
	_ =	sdelay $0x3  }
0x36: {  	p1 =	seq.s32 s10, $0x1;
	s10 =	sld [smem:$0x3FB5];
	_ =	sdelay $0x3  }
0x37: {  	[smem:$0x3FB5] =	sst s10  }
0x38: {  	s10 =	sld [smem:$0x3FB6]  }
0x39: {  	_ = 	snop;
	(pc) =	sbr.ind lr, $3  }
0x3a: {  	_ = 	snop  }
0x3b: {  	_ = 	snop  }
0x3c: {  	p2 =	seq.s32 s10, $0x1;
	s10 =	sld [smem:$0x3FB5]  }
0x3d: {  	_ =	shalt  }
0x3e: {  	_ =	shalt  }
0x3f: {  	_ =	shalt  }
0x40: {  	_ =	shalt  }
0x41: {  	_ =	shalt  }
0x42: {  	_ =	shalt  }
0x43: {  	_ =	shalt  }
0x44: {  	_ =	shalt  }
0x45: {  	_ =	shalt  }
0x46: {  	_ =	shalt  }
0x47: {  	_ =	shalt  }
0x48: {  	_ =	shalt  }
0x49: {  	_ =	shalt  }
0x4a: {  	_ =	shalt  }
0x4b: {  	_ =	shalt  }
0x4c: {  	_ =	shalt  }
0x4d: {  	_ =	shalt  }
0x4e: {  	_ =	shalt  }
0x4f: {  	_ =	shalt  }
0x50: {  	_ =	shalt  }
0x51: {  	_ =	shalt  }
0x52: {  	_ =	shalt  }
0x53: {  	_ =	shalt  }
0x54: {  	_ =	shalt  }
0x55: {  	_ =	shalt  }
0x56: {  	_ =	shalt  }
0x57: {  	_ =	shalt  }
0x58: {  	_ =	shalt  }
0x59: {  	_ =	shalt  }
0x5a: {  	_ =	shalt  }
0x5b: {  	_ =	shalt  }
0x5c: {  	_ =	shalt  }
0x5d: {  	_ =	shalt  }
0x5e: {  	_ =	shalt  }
0x5f: {  	_ =	shalt  }
0x60: {  	_ =	shalt  }
0x61: {  	_ =	shalt  }
0x62: {  	_ =	shalt  }
0x63: {  	_ =	shalt  }
0x64: {  	_ =	shalt  }
0x65: {  	_ =	shalt  }
0x66: {  	_ =	shalt  }
0x67: {  	_ =	shalt  }
0x68: {  	_ =	shalt  }
0x69: {  	_ =	shalt  }
0x6a: {  	_ =	shalt  }
0x6b: {  	_ =	shalt  }
0x6c: {  	_ =	shalt  }
0x6d: {  	_ =	shalt  }
0x6e: {  	_ =	shalt  }
0x6f: {  	_ =	shalt  }
0x70: {  	_ =	shalt  }
0x71: {  	_ =	shalt  }
0x72: {  	_ =	shalt  }
0x73: {  	_ =	shalt  }
0x74: {  	_ =	shalt  }
0x75: {  	_ =	shalt  }
0x76: {  	_ =	shalt  }
0x77: {  	_ =	shalt  }
0x78: {  	_ =	shalt  }
0x79: {  	_ =	shalt  }
0x7a: {  	_ =	shalt  }
0x7b: {  	_ =	shalt  }
0x7c: {  	_ =	shalt  }
0x7d: {  	_ =	shalt  }
0x7e: {  	_ =	shalt  }
0x7f: {  	_ =	shalt  }
0x80: {  	_ =	shalt  }
0x81: {  	_ =	shalt  }
0x82: {  	_ =	shalt  }
0x83: {  	_ =	shalt  }
0x84: {  	_ =	shalt  }
0x85: {  	_ =	shalt  }
0x86: {  	_ =	shalt  }
0x87: {  	_ =	shalt  }
.Lfunc_end0:
.L_simem_size_0:
called_computation.1_lowered:
.L_overlay_start_0:
0x88: {  	s2 =	sld [smem:$0x3FD9]  }
0x89: {  	s3 =	sld [smem:$0x3FFE];
	_ =	sdelay $0x1  }
0x8a: {  	s1 =	srdreg.scid  }
0x8b: {  	s0 =	sand.u32 $0x1, s1  }
0x8c: {  	s14 =	sshll.u32 s0, $0xA;
	s2 =	sadd.s32 s3, s2  }
0x8d: {  	s2 =	sadd.s32 s2, s14  }
0x8e: {  	[smem:$0x3FC1] =	sst s2  }
0x8f: {  	_ = 	snop  }
0x90: {  	s2 =	sld [smem:$0x3FD0];
	_ =	sdelay $0x2  }
0x91: {  	s15 =	simm.s32 $0xA;
	s4 =	simm.s32 $0x10  }
0x92: {  	[smem:s4], [sflag:s15] =	dma.local [hbm:s2], $0x1  }
0x93: {  	_ =	swait.eq [sflag:s15], $0x1  }
0x94: {  	[sflag:s15] =	ssyncset.done $0x0  }
0x95: {  	[sflag:s15] =	ssyncadd.s32 $0xFFFFFFFF  }
0x96: {  	s16 =	sld [smem:$0x10];
	(tm) =	ssettm $0x1  }
0x97: {  	s17 =	sld [smem:$0x3FFB];
	_ =	sdelay $0x3  }
0x98: {  	_ =	strace s17  }
0x99: {  	s3 =	sld [smem:$0x3FFC];
	_ =	sdelay $0x3  }
0x9a: {  	_ =	strace s3  }
0x9b: {  	s3 =	sld [smem:$0x3FFD];
	_ =	sdelay $0x3  }
0x9c: {  	_ =	strace s3  }
0x9d: {  	_ =	strace $0x8FFFFFFF  }
0x9e: {  	s18 =	sld [smem:$0x3FDB];
	_ =	sdelay $0x1  }
0x9f: {  	s19 =	simm.s32 $_scs_section_size  }
0xa0: {  	s5 =	simm.s32 $_size__tile_overlayer_lowered;
	s6 =	simm.s32 $_tile_overlayer_lowered  }
0xa1: {  	s22 =	simm.s32 $0x1BFF;
	s21 =	sshll.u32 s6, $0x1;
	s3 =	sadd.s32 s19, s18  }
0xa2: {  	s7 =	simm.s32 $0x0;
	s20 =	sshll.u32 s5, $0x1;
	s5 =	sadd.s32 s21, s3  }
0xa3: {  	[timem:s7], [sflag:s22] =	dma.local [hbm:s5], s20  }
0xa4: {  	_ =	swait.ge [sflag:s22], s20  }
0xa5: {  	s4 =	ssub.s32 $0x0, s20;
	[sflag:s22] =	ssyncset.done $0x0  }
0xa6: {  	[sflag:s22] =	ssyncadd.s32 s4;
	_ =	sdelay $0x1  }
0xa7: {  	s23 =	simm.s32 $0x1B8B  }
0xa8: {  	_ =	swait.ge [sflag:s23], $0x1  }
0xa9: {  	[sflag:s23] =	ssyncset.done $0x0  }
0xaa: {  	s25 =	simm.s32 $0x1B8E;
	s24 =	sld [smem:$0x3FFE];
	[sflag:s23] =	ssyncadd.s32 $0xFFFFFFFF  }
0xab: {  	s26 =	simm.s32 $execute0_lowered;
	[smem:$0x3FD2] =	sst s25  }
0xac: {  	s5 =	sshll.u32 s26, $0x1;
	_ =	strace $0x80000049;
	[dreg:$0x1] =	wrdreg $0xFFFFFFFF  }
0xad: {  	s28 =	simm.s32 $_size_execute0_lowered;
	s3 =	sadd.s32 s3, s5;
	[dreg:$0x0] =	wrdreg $0x0  }
0xae: {  	s5 =	sshll.u32 s28, $0x1;
	[dreg:$0x2] =	wrdreg s3  }
0xaf: {  	[dreg:$0x3] =	wrdreg s5  }
0xb0: {  	[dreg:$0x4] =	wrdreg $0xC0  }
0xb1: {  	_ =	task [dreg:s7], $0x5FFFF  }
0xb2: {  	[dreg:$0x1] =	wrdreg $0xFFFFFFFF  }
0xb3: {  	[dreg:$0x0] =	wrdreg $0x60  }
0xb4: {  	[dreg:$0x2] =	wrdreg s24  }
0xb5: {  	[dreg:$0x3] =	wrdreg s16  }
0xb6: {  	[dreg:$0x4] =	wrdreg $0x9  }
0xb7: {  	_ =	task.clear_ibuf [dreg:s7], $0x5FFFF;
	_ =	strace $0x90000049  }
0xb8: {  	s29 =	simm.s32 $0x9;
	_ =	strace $0x8000004B  }
0xb9: {  	_ =	swait.ge [sflag:s29], $0x1  }
0xba: {  	[sflag:s29] =	ssyncadd.s32 $0xFFFFFFFF  }
0xbb: {  	_ =	strace $0x9000004B  }
0xbc: {  	_ =	sfence  }
0xbd: {  	s30 =	sld [smem:$0x0];
	_ =	sdelay $0x2  }
0xbe: {  	s31 =	sshll.u32 s1, $0xD;
	s1 =	sshrl.u32 s1, $0x2  }
0xbf: {  	s3 =	sand.u32 $0x4000, s31;
	s1 =	sadd.s32 s1, s30  }
0xc0: {  	s0 =	sor.u32 s3, s0;
	s1 =	sshll.u32 s1, $0x11  }
0xc1: {  	s0 =	sor.u32 s1, s0  }
0xc2: {  	s0 =	sadd.s32 $0x8F2B, s0  }
0xc3: {  	[sflag:s0] =	ssyncadd.remote.s32 $0x1  }
0xc4: {  	_ =	sfence.sel $0xFFFF  }
0xc5: {  	[dreg:$0x0] =	wrdreg $0xFFFFFFFF;
	(pc) =	sbr.abs _section_cstart, $3  }
0xc6: {  	[dreg:$0x1] =	wrdreg $0xFFFFFFFF  }
0xc7: {  	_ =	task.clear_ibuf [dreg:s7], $0x2FFFF;
	_ =	strace $0x9FFFFFFF  }
0xc8: {  	(tm) =	ssettm $0x7FFFFFFF  }
0xc9: {  	_ =	shalt  }
tec
execute0_lowered:
.L_overlay_start_1:
0x0: {  	(tag) =	ssettag $0x1  }
0x1: {  	s2 =	srdreg.scid;
	s1 =	rddreg [dreg:$0x0]  }
0x2: {  	s3 =	rddreg [dreg:$0x1];
	s4 =	sand.u32 $0x1, s2;
	s2 =	simm.s32 $0x0  }
0x3: {  	s8 =	simm.s32 $0x18080;
	[smem:$0x7FF] =	sst s2  }
0x4: {  	s9 =	simm.s32 $0x800;
	_ =	strace $0x8000004A;
	[dreg:$0x8] =	wrdreg s8  }
0x5: {  	s10 =	simm.s32 $0xC00;
	[dreg:$0x9] =	wrdreg s9  }
0x6: {  	s11 =	simm.s32 $0x1400;
	[dreg:$0xa] =	wrdreg s10  }
0x7: {  	s12 =	simm.s32 $0x1800;
	[dreg:$0xb] =	wrdreg s11  }
0x8: {  	s13 =	simm.s32 $0x2000;
	[dreg:$0xc] =	wrdreg s12  }
0x9: {  	s14 =	simm.s32 $0x2400;
	[dreg:$0xd] =	wrdreg s13  }
0xa: {  	s15 =	simm.s32 $0x2C00;
	[dreg:$0xe] =	wrdreg s14  }
0xb: {  	s16 =	simm.s32 $0x3000;
	[dreg:$0xf] =	wrdreg s15  }
0xc: {  	s17 =	simm.s32 $0x3800;
	[dreg:$0x10] =	wrdreg s16  }
0xd: {  	s18 =	simm.s32 $0x3C00;
	[dreg:$0x11] =	wrdreg s17  }
0xe: {  	s19 =	simm.s32 $0x4400;
	[dreg:$0x12] =	wrdreg s18  }
0xf: {  	s20 =	simm.s32 $0x4800;
	[dreg:$0x13] =	wrdreg s19  }
0x10: {  	s21 =	simm.s32 $0x5000;
	[dreg:$0x14] =	wrdreg s20  }
0x11: {  	s22 =	simm.s32 $0x5400;
	[dreg:$0x15] =	wrdreg s21  }
0x12: {  	s23 =	simm.s32 $0x5C00;
	[dreg:$0x16] =	wrdreg s22  }
0x13: {  	s0 =	stileid.u32;
	s24 =	simm.s32 $0x6000;
	[dreg:$0x17] =	wrdreg s23  }
0x14: {  	s25 =	simm.s32 $0x6800;
	s26 =	sshll.u32 s0, $0x1;
	[dreg:$0x18] =	wrdreg s24  }
0x15: {  	s5 =	sor.u32 s4, s26;
	s26 =	simm.s32 $0x6C00;
	[dreg:$0x19] =	wrdreg s25  }
0x16: {  	[dreg:$0x1a] =	wrdreg s26;
	s8 =	simm.s32 $0x8C00  }
0x17: {  	s9 =	simm.s32 $0x9000;
	[dreg:$0x1f] =	wrdreg s8  }
0x18: {  	s10 =	simm.s32 $0x9800;
	[smem:$0x7ED] =	sst s9  }
0x19: {  	s11 =	simm.s32 $0x9C00;
	[smem:$0x7EE] =	sst s10  }
0x1a: {  	s12 =	simm.s32 $0xA400;
	[smem:$0x7EF] =	sst s11  }
0x1b: {  	s13 =	simm.s32 $0xA800;
	[smem:$0x7F0] =	sst s12  }
0x1c: {  	s14 =	simm.s32 $0xB000;
	[smem:$0x7F1] =	sst s13  }
0x1d: {  	s15 =	simm.s32 $0xB400;
	[smem:$0x7F2] =	sst s14  }
0x1e: {  	s16 =	simm.s32 $0xBC00;
	[smem:$0x7F3] =	sst s15  }
0x1f: {  	s28 =	simm.s32 $0x17000;
	s17 =	simm.s32 $0xC800;
	[smem:$0x7F4] =	sst s16  }
0x20: {  	s29 =	simm.s32 $0x17400;
	s18 =	simm.s32 $0xCC00;
	[smem:$0x7F5] =	sst s17  }
0x21: {  	s30 =	simm.s32 $0x17C00;
	s19 =	simm.s32 $0xD400;
	[smem:$0x7F6] =	sst s18  }
0x22: {  	s31 =	simm.s32 $0x1;
	s20 =	simm.s32 $0xD800;
	[smem:$0x7F7] =	sst s19  }
0x23: {  	s4 =	ssub.s32 $0x2, s4;
	s21 =	simm.s32 $0xE000;
	[smem:$0x7F8] =	sst s20  }
0x24: {  	s6 =	sshll.u32 s5, $0x4;
	s23 =	simm.s32 $0xE400;
	[smem:$0x7F9] =	sst s21  }
0x25: {  	s5 =	smul.u32 $0x1800, s5;
	s24 =	simm.s32 $0xEC00;
	[smem:$0x7FA] =	sst s23  }
0x26: {  	s22 =	sshrl.u32 s4, $0x1;
	s25 =	simm.s32 $0xF000;
	[smem:$0x7FB] =	sst s24  }
0x27: {  	s26 =	simm.s32 $0xF800;
	s6 =	sadd.s32 s6, s1;
	[smem:$0x7FC] =	sst s25  }
0x28: {  	[smem:$0x7FD] =	sst s26;
	s9 =	simm.s32 $0x10400;
	s10 =	simm.s32 $0x10800  }
0x29: {  	s11 =	simm.s32 $0x11000;
	s12 =	simm.s32 $0x11400;
	s13 =	simm.s32 $0x11C00  }
0x2a: {  	s14 =	simm.s32 $0x12000;
	s15 =	simm.s32 $0x12800;
	s16 =	simm.s32 $0x12C00  }
0x2b: {  	s17 =	simm.s32 $0x13400;
	s18 =	simm.s32 $0x13800;
	s7 =	sadd.s32 $0x1E00, s6  }
0x2c: {  	s19 =	simm.s32 $0x14000;
	s6 =	sadd.s32 $0x1C00, s6;
	[dreg:$0x3] =	wrdreg s7  }
0x2d: {  	s20 =	simm.s32 $0x14400;
	s3 =	sadd.s32 s3, s5;
	[dreg:$0x4] =	wrdreg s6  }
0x2e: {  	s0 =	sadd.s32 s5, s1;
	s5 =	simm.s32 $0x7800;
	[dreg:$0x5] =	wrdreg s3  }
0x2f: {  	s21 =	simm.s32 $0x14C00;
	s6 =	sadd.s32 $0x2000, s0;
	[dreg:$0x1c] =	wrdreg s5  }
0x30: {  	s23 =	simm.s32 $0x15800;
	s7 =	simm.s32 $0x18000;
	[dreg:$0x6] =	wrdreg s6  }
0x31: {  	s24 =	simm.s32 $0x15C00;
	s0 =	simm.s32 $0x7400;
	[dreg:$0x7] =	wrdreg s7  }
0x32: {  	s25 =	simm.s32 $0x16400;
	[dreg:$0x1b] =	wrdreg s0;
	s6 =	simm.s32 $0x8000  }
0x33: {  	s26 =	simm.s32 $0x16800;
	s7 =	simm.s32 $0x8400;
	[dreg:$0x1d] =	wrdreg s6  }
0x34: {  	v2 =	vlaneseq.u32;
	s3 =	sadd.s32 $0x92000, s1;
	[dreg:$0x1e] =	wrdreg s7;
	s6 =	ssub.s32 s4, s22  }
0x35: {  	vm0 =	vmmov $0xffff;
	vm1 =	vmmov $0xff;
	v1 =	vshrl.u32 v2, $0x3;
	s4 =	sadd.s32 $0x92100, s1;
	s7 =	simm.s32 $0xC000;
	s22 =	simm.s32 $0x15000  }
0x36: {  	v0 =	vand.u32 $0x7, v2;
	v2 =	vor.u32 $0x8, v2;
	v1 =	vmul.u32 $0x8, v1;
	s1 =	simm.s32 $0x2;
	s5 =	smax.u32 s6, $0x1;
	s6 =	simm.s32 $0x3  }
.LBB2_1:
0x37: {  	s0 =	rddreg [dreg:$0x3]  }
0x38: {  	s8 =	rddreg [dreg:$0x7]  }
0x39: {  	[tilespmem:s8], [sflag:$0x3] =	stream.linear.gather [hbm4b:s0+s2], $0x80, $0x38;
	[tilespmem:$0x18100] =	vst v63  }
0x3a: {  	_ =	swait.ge [sflag:s6], $0x80  }
0x3b: {  	s0 =	rddreg [dreg:$0x4];
	[sflag:s6] =	ssyncset.done $0x0  }
0x3c: {  	s8 =	rddreg [dreg:$0x8];
	[sflag:s6] =	ssyncadd.s32 $0xFFFFFF80  }
0x3d: {  	[tilespmem:s8], [sflag:$0x3] =	stream.linear.gather [hbm4b:s0+s2], $0x80, $0x38;
	[tilespmem:$0x18100] =	vst v63  }
0x3e: {  	_ =	swait.ge [sflag:s6], $0x80  }
0x3f: {  	[sflag:s6] =	ssyncset.done $0x0  }
0x40: {  	[sflag:s6] =	ssyncadd.s32 $0xFFFFFF80  }
0x41: {  	v3 =	vld [tilespmem:$0x18000];
	_ =	sdelay $0x4  }
0x42: {  	v4 =	vshrl.u32 v3, $0x3  }
0x43: {  	v4 =	vmul.u32 $0x18, v4  }
0x44: {  	v3 =	vand.u32 $0x7, v3  }
0x45: {  	v3 =	vor.u32 v3, v4  }
0x46: {  	v4 =	vperm.xlane v3, v0;
	_ =	sdelay $0x1  }
0x47: {  	v4 =	vadd.s32 v1, v4;
	_ =	sdelay $0x1  }
0x48: {  	v3 =	vperm.xlane v3, v2;
	_ =	sdelay $0x1  }
0x49: {  	v3 =	vadd.s32 v1, v3  }
0x4a: {  	[tilespmem:s2], [sflag:$0x1] =	stream.indirect_vreg.gather [hbm4b:s3+s2], $0x80, v4, vm0, $0xb8;
	[tilespmem:$0x18100] =	vst v63  }
0x4b: {  	s0 =	rddreg [dreg:$0x9]  }
0x4c: {  	[tilespmem:s0], [sflag:$0x1] =	stream.indirect_vreg.gather [hbm4b:s4+s2], $0x80, v4, vm1, $0xb8;
	[tilespmem:$0x18100] =	vst v63  }
0x4d: {  	s8 =	rddreg [dreg:$0xa]  }
0x4e: {  	[tilespmem:s8], [sflag:$0x1] =	stream.indirect_vreg.gather [hbm4b:s3+s2], $0x80, v3, vm0, $0xb8;
	[tilespmem:$0x18100] =	vst v63  }
0x4f: {  	s0 =	rddreg [dreg:$0xb]  }
0x50: {  	[tilespmem:s0], [sflag:$0x1] =	stream.indirect_vreg.gather [hbm4b:s4+s2], $0x80, v3, vm1, $0xb8;
	[tilespmem:$0x18100] =	vst v63  }
0x51: {  	v3 =	vld [tilespmem:$0x18010];
	_ =	sdelay $0x4  }
0x52: {  	v49 =	vshrl.u32 v3, $0x3  }
0x53: {  	v4 =	vmul.u32 $0x18, v49  }
0x54: {  	v3 =	vand.u32 $0x7, v3  }
0x55: {  	v3 =	vor.u32 v3, v4  }
0x56: {  	v4 =	vperm.xlane v3, v0;
	_ =	sdelay $0x1  }
0x57: {  	v4 =	vadd.s32 v1, v4;
	_ =	sdelay $0x1  }
0x58: {  	v3 =	vperm.xlane v3, v2;
	_ =	sdelay $0x1  }
0x59: {  	s0 =	rddreg [dreg:$0xc];
	v3 =	vadd.s32 v1, v3  }
0x5a: {  	[tilespmem:s0], [sflag:$0x1] =	stream.indirect_vreg.gather [hbm4b:s3+s2], $0x80, v4, vm0, $0xb8;
	[tilespmem:$0x18100] =	vst v63  }
0x5b: {  	s8 =	rddreg [dreg:$0xd]  }
0x5c: {  	[tilespmem:s8], [sflag:$0x1] =	stream.indirect_vreg.gather [hbm4b:s4+s2], $0x80, v4, vm1, $0xb8;
	[tilespmem:$0x18100] =	vst v63  }
0x5d: {  	s0 =	rddreg [dreg:$0xe]  }
0x5e: {  	[tilespmem:s0], [sflag:$0x1] =	stream.indirect_vreg.gather [hbm4b:s3+s2], $0x80, v3, vm0, $0xb8;
	[tilespmem:$0x18100] =	vst v63  }
0x5f: {  	s8 =	rddreg [dreg:$0xf]  }
0x60: {  	[tilespmem:s8], [sflag:$0x1] =	stream.indirect_vreg.gather [hbm4b:s4+s2], $0x80, v3, vm1, $0xb8;
	[tilespmem:$0x18100] =	vst v63  }
0x61: {  	v3 =	vld [tilespmem:$0x18020];
	_ =	sdelay $0x4  }
0x62: {  	v50 =	vshrl.u32 v3, $0x3  }
0x63: {  	v4 =	vmul.u32 $0x18, v50  }
0x64: {  	v3 =	vand.u32 $0x7, v3  }
0x65: {  	v3 =	vor.u32 v3, v4  }
0x66: {  	v4 =	vperm.xlane v3, v0;
	_ =	sdelay $0x1  }
0x67: {  	v4 =	vadd.s32 v1, v4;
	_ =	sdelay $0x1  }
0x68: {  	v3 =	vperm.xlane v3, v2;
	_ =	sdelay $0x1  }
0x69: {  	s0 =	rddreg [dreg:$0x10];
	v3 =	vadd.s32 v1, v3  }
0x6a: {  	[tilespmem:s0], [sflag:$0x1] =	stream.indirect_vreg.gather [hbm4b:s3+s2], $0x80, v4, vm0, $0xb8;
	[tilespmem:$0x18100] =	vst v63  }
0x6b: {  	s8 =	rddreg [dreg:$0x11]  }
0x6c: {  	[tilespmem:s8], [sflag:$0x1] =	stream.indirect_vreg.gather [hbm4b:s4+s2], $0x80, v4, vm1, $0xb8;
	[tilespmem:$0x18100] =	vst v63  }
0x6d: {  	s0 =	rddreg [dreg:$0x12]  }
0x6e: {  	[tilespmem:s0], [sflag:$0x1] =	stream.indirect_vreg.gather [hbm4b:s3+s2], $0x80, v3, vm0, $0xb8;
	[tilespmem:$0x18100] =	vst v63  }
0x6f: {  	s8 =	rddreg [dreg:$0x13]  }
0x70: {  	[tilespmem:s8], [sflag:$0x1] =	stream.indirect_vreg.gather [hbm4b:s4+s2], $0x80, v3, vm1, $0xb8;
	[tilespmem:$0x18100] =	vst v63  }
0x71: {  	v3 =	vld [tilespmem:$0x18030];
	_ =	sdelay $0x4  }
0x72: {  	v51 =	vshrl.u32 v3, $0x3  }
0x73: {  	v4 =	vmul.u32 $0x18, v51  }
0x74: {  	v3 =	vand.u32 $0x7, v3  }
0x75: {  	v3 =	vor.u32 v3, v4  }
0x76: {  	v4 =	vperm.xlane v3, v0;
	_ =	sdelay $0x1  }
0x77: {  	v4 =	vadd.s32 v1, v4;
	_ =	sdelay $0x1  }
0x78: {  	v3 =	vperm.xlane v3, v2;
	_ =	sdelay $0x1  }
0x79: {  	s0 =	rddreg [dreg:$0x14];
	v3 =	vadd.s32 v1, v3  }
0x7a: {  	[tilespmem:s0], [sflag:$0x1] =	stream.indirect_vreg.gather [hbm4b:s3+s2], $0x80, v4, vm0, $0xb8;
	[tilespmem:$0x18100] =	vst v63  }
0x7b: {  	s8 =	rddreg [dreg:$0x15]  }
0x7c: {  	[tilespmem:s8], [sflag:$0x1] =	stream.indirect_vreg.gather [hbm4b:s4+s2], $0x80, v4, vm1, $0xb8;
	[tilespmem:$0x18100] =	vst v63  }
0x7d: {  	s0 =	rddreg [dreg:$0x16]  }
0x7e: {  	[tilespmem:s0], [sflag:$0x1] =	stream.indirect_vreg.gather [hbm4b:s3+s2], $0x80, v3, vm0, $0xb8;
	[tilespmem:$0x18100] =	vst v63  }
0x7f: {  	s8 =	rddreg [dreg:$0x17]  }
0x80: {  	[tilespmem:s8], [sflag:$0x1] =	stream.indirect_vreg.gather [hbm4b:s4+s2], $0x80, v3, vm1, $0xb8;
	[tilespmem:$0x18100] =	vst v63  }
0x81: {  	v3 =	vld [tilespmem:$0x18040];
	_ =	sdelay $0x4  }
0x82: {  	v52 =	vshrl.u32 v3, $0x3  }
0x83: {  	v4 =	vmul.u32 $0x18, v52  }
0x84: {  	v3 =	vand.u32 $0x7, v3  }
0x85: {  	v3 =	vor.u32 v3, v4  }
0x86: {  	v4 =	vperm.xlane v3, v0;
	_ =	sdelay $0x1  }
0x87: {  	v4 =	vadd.s32 v1, v4;
	_ =	sdelay $0x1  }
0x88: {  	v3 =	vperm.xlane v3, v2;
	_ =	sdelay $0x1  }
0x89: {  	s0 =	rddreg [dreg:$0x18];
	v3 =	vadd.s32 v1, v3  }
0x8a: {  	[tilespmem:s0], [sflag:$0x1] =	stream.indirect_vreg.gather [hbm4b:s3+s2], $0x80, v4, vm0, $0xb8;
	[tilespmem:$0x18100] =	vst v63  }
0x8b: {  	s8 =	rddreg [dreg:$0x19]  }
0x8c: {  	[tilespmem:s8], [sflag:$0x1] =	stream.indirect_vreg.gather [hbm4b:s4+s2], $0x80, v4, vm1, $0xb8;
	[tilespmem:$0x18100] =	vst v63  }
0x8d: {  	s0 =	rddreg [dreg:$0x1a]  }
0x8e: {  	[tilespmem:s0], [sflag:$0x1] =	stream.indirect_vreg.gather [hbm4b:s3+s2], $0x80, v3, vm0, $0xb8;
	[tilespmem:$0x18100] =	vst v63  }
0x8f: {  	s8 =	rddreg [dreg:$0x1b]  }
0x90: {  	[tilespmem:s8], [sflag:$0x1] =	stream.indirect_vreg.gather [hbm4b:s4+s2], $0x80, v3, vm1, $0xb8;
	[tilespmem:$0x18100] =	vst v63  }
0x91: {  	v3 =	vld [tilespmem:$0x18050];
	_ =	sdelay $0x4  }
0x92: {  	v53 =	vshrl.u32 v3, $0x3  }
0x93: {  	v4 =	vmul.u32 $0x18, v53  }
0x94: {  	v3 =	vand.u32 $0x7, v3  }
0x95: {  	v3 =	vor.u32 v3, v4  }
0x96: {  	v4 =	vperm.xlane v3, v0;
	_ =	sdelay $0x1  }
0x97: {  	v4 =	vadd.s32 v1, v4;
	_ =	sdelay $0x1  }
0x98: {  	v3 =	vperm.xlane v3, v2;
	_ =	sdelay $0x1  }
0x99: {  	s0 =	rddreg [dreg:$0x1c];
	v3 =	vadd.s32 v1, v3  }
0x9a: {  	[tilespmem:s0], [sflag:$0x1] =	stream.indirect_vreg.gather [hbm4b:s3+s2], $0x80, v4, vm0, $0xb8;
	[tilespmem:$0x18100] =	vst v63  }
0x9b: {  	s8 =	rddreg [dreg:$0x1d]  }
0x9c: {  	[tilespmem:s8], [sflag:$0x1] =	stream.indirect_vreg.gather [hbm4b:s4+s2], $0x80, v4, vm1, $0xb8;
	[tilespmem:$0x18100] =	vst v63  }
0x9d: {  	s0 =	rddreg [dreg:$0x1e]  }
0x9e: {  	[tilespmem:s0], [sflag:$0x1] =	stream.indirect_vreg.gather [hbm4b:s3+s2], $0x80, v3, vm0, $0xb8;
	[tilespmem:$0x18100] =	vst v63  }
0x9f: {  	s8 =	rddreg [dreg:$0x1f]  }
0xa0: {  	[tilespmem:s8], [sflag:$0x1] =	stream.indirect_vreg.gather [hbm4b:s4+s2], $0x80, v3, vm1, $0xb8;
	[tilespmem:$0x18100] =	vst v63  }
0xa1: {  	v3 =	vld [tilespmem:$0x18060];
	_ =	sdelay $0x4  }
0xa2: {  	v54 =	vshrl.u32 v3, $0x3  }
0xa3: {  	v4 =	vmul.u32 $0x18, v54  }
0xa4: {  	v3 =	vand.u32 $0x7, v3  }
0xa5: {  	v3 =	vor.u32 v3, v4  }
0xa6: {  	v4 =	vperm.xlane v3, v0;
	_ =	sdelay $0x1  }
0xa7: {  	v4 =	vadd.s32 v1, v4;
	_ =	sdelay $0x1  }
0xa8: {  	s0 =	sld [smem:$0x7ED];
	v3 =	vperm.xlane v3, v2;
	_ =	sdelay $0x1  }
0xa9: {  	s8 =	sld [smem:$0x7EE];
	v3 =	vadd.s32 v1, v3  }
0xaa: {  	[tilespmem:s0], [sflag:$0x1] =	stream.indirect_vreg.gather [hbm4b:s3+s2], $0x80, v4, vm0, $0xb8;
	[tilespmem:$0x18100] =	vst v63  }
0xab: {  	s0 =	sld [smem:$0x7EF]  }
0xac: {  	[tilespmem:s8], [sflag:$0x1] =	stream.indirect_vreg.gather [hbm4b:s4+s2], $0x80, v4, vm1, $0xb8;
	[tilespmem:$0x18100] =	vst v63  }
0xad: {  	s8 =	sld [smem:$0x7F0]  }
0xae: {  	[tilespmem:s0], [sflag:$0x1] =	stream.indirect_vreg.gather [hbm4b:s3+s2], $0x80, v3, vm0, $0xb8;
	[tilespmem:$0x18100] =	vst v63  }
0xaf: {  	_ = 	snop  }
0xb0: {  	[tilespmem:s8], [sflag:$0x1] =	stream.indirect_vreg.gather [hbm4b:s4+s2], $0x80, v3, vm1, $0xb8;
	[tilespmem:$0x18100] =	vst v63  }
0xb1: {  	v3 =	vld [tilespmem:$0x18070];
	_ =	sdelay $0x4  }
0xb2: {  	v55 =	vshrl.u32 v3, $0x3  }
0xb3: {  	v4 =	vmul.u32 $0x18, v55  }
0xb4: {  	v3 =	vand.u32 $0x7, v3  }
0xb5: {  	v3 =	vor.u32 v3, v4  }
0xb6: {  	v4 =	vperm.xlane v3, v0;
	_ =	sdelay $0x1  }
0xb7: {  	v4 =	vadd.s32 v1, v4;
	_ =	sdelay $0x1  }
0xb8: {  	s0 =	sld [smem:$0x7F1];
	v3 =	vperm.xlane v3, v2;
	_ =	sdelay $0x1  }
0xb9: {  	s8 =	sld [smem:$0x7F2];
	v3 =	vadd.s32 v1, v3  }
0xba: {  	[tilespmem:s0], [sflag:$0x1] =	stream.indirect_vreg.gather [hbm4b:s3+s2], $0x80, v4, vm0, $0xb8;
	[tilespmem:$0x18100] =	vst v63  }
0xbb: {  	s0 =	sld [smem:$0x7F3]  }
0xbc: {  	[tilespmem:s8], [sflag:$0x1] =	stream.indirect_vreg.gather [hbm4b:s4+s2], $0x80, v4, vm1, $0xb8;
	[tilespmem:$0x18100] =	vst v63  }
0xbd: {  	s8 =	sld [smem:$0x7F4]  }
0xbe: {  	[tilespmem:s0], [sflag:$0x1] =	stream.indirect_vreg.gather [hbm4b:s3+s2], $0x80, v3, vm0, $0xb8;
	[tilespmem:$0x18100] =	vst v63  }
0xbf: {  	_ = 	snop  }
0xc0: {  	[tilespmem:s8], [sflag:$0x1] =	stream.indirect_vreg.gather [hbm4b:s4+s2], $0x80, v3, vm1, $0xb8;
	[tilespmem:$0x18100] =	vst v63  }
0xc1: {  	v3 =	vld [tilespmem:$0x18080];
	_ =	sdelay $0x4  }
0xc2: {  	v56 =	vshrl.u32 v3, $0x3  }
0xc3: {  	v4 =	vmul.u32 $0x18, v56  }
0xc4: {  	v3 =	vand.u32 $0x7, v3  }
0xc5: {  	v3 =	vor.u32 v3, v4  }
0xc6: {  	v4 =	vperm.xlane v3, v0;
	_ =	sdelay $0x1  }
0xc7: {  	v4 =	vadd.s32 v1, v4;
	_ =	sdelay $0x1  }
0xc8: {  	v3 =	vperm.xlane v3, v2;
	_ =	sdelay $0x1  }
0xc9: {  	s0 =	sld [smem:$0x7F5];
	v3 =	vadd.s32 v1, v3  }
0xca: {  	[tilespmem:s7], [sflag:$0x2] =	stream.indirect_vreg.gather [hbm4b:s3+s2], $0x80, v4, vm0, $0xb8;
	[tilespmem:$0x18100] =	vst v63  }
0xcb: {  	s8 =	sld [smem:$0x7F6]  }
0xcc: {  	[tilespmem:s0], [sflag:$0x2] =	stream.indirect_vreg.gather [hbm4b:s4+s2], $0x80, v4, vm1, $0xb8;
	[tilespmem:$0x18100] =	vst v63  }
0xcd: {  	s0 =	sld [smem:$0x7F7]  }
0xce: {  	[tilespmem:s8], [sflag:$0x2] =	stream.indirect_vreg.gather [hbm4b:s3+s2], $0x80, v3, vm0, $0xb8;
	[tilespmem:$0x18100] =	vst v63  }
0xcf: {  	_ = 	snop  }
0xd0: {  	[tilespmem:s0], [sflag:$0x2] =	stream.indirect_vreg.gather [hbm4b:s4+s2], $0x80, v3, vm1, $0xb8;
	[tilespmem:$0x18100] =	vst v63  }
0xd1: {  	v3 =	vld [tilespmem:$0x18090];
	_ =	sdelay $0x4  }
0xd2: {  	v57 =	vshrl.u32 v3, $0x3  }
0xd3: {  	v4 =	vmul.u32 $0x18, v57  }
0xd4: {  	v3 =	vand.u32 $0x7, v3  }
0xd5: {  	v3 =	vor.u32 v3, v4  }
0xd6: {  	v4 =	vperm.xlane v3, v0;
	_ =	sdelay $0x1  }
0xd7: {  	v4 =	vadd.s32 v1, v4;
	_ =	sdelay $0x1  }
0xd8: {  	s0 =	sld [smem:$0x7F8];
	v3 =	vperm.xlane v3, v2;
	_ =	sdelay $0x1  }
0xd9: {  	s8 =	sld [smem:$0x7F9];
	v3 =	vadd.s32 v1, v3  }
0xda: {  	[tilespmem:s0], [sflag:$0x2] =	stream.indirect_vreg.gather [hbm4b:s3+s2], $0x80, v4, vm0, $0xb8;
	[tilespmem:$0x18100] =	vst v63  }
0xdb: {  	s0 =	sld [smem:$0x7FA]  }
0xdc: {  	[tilespmem:s8], [sflag:$0x2] =	stream.indirect_vreg.gather [hbm4b:s4+s2], $0x80, v4, vm1, $0xb8;
	[tilespmem:$0x18100] =	vst v63  }
0xdd: {  	s8 =	sld [smem:$0x7FB]  }
0xde: {  	[tilespmem:s0], [sflag:$0x2] =	stream.indirect_vreg.gather [hbm4b:s3+s2], $0x80, v3, vm0, $0xb8;
	[tilespmem:$0x18100] =	vst v63  }
0xdf: {  	_ = 	snop  }
0xe0: {  	[tilespmem:s8], [sflag:$0x2] =	stream.indirect_vreg.gather [hbm4b:s4+s2], $0x80, v3, vm1, $0xb8;
	[tilespmem:$0x18100] =	vst v63  }
0xe1: {  	v3 =	vld [tilespmem:$0x180A0];
	_ =	sdelay $0x4  }
0xe2: {  	v58 =	vshrl.u32 v3, $0x3  }
0xe3: {  	v4 =	vmul.u32 $0x18, v58  }
0xe4: {  	v3 =	vand.u32 $0x7, v3  }
0xe5: {  	v3 =	vor.u32 v3, v4  }
0xe6: {  	v4 =	vperm.xlane v3, v0;
	_ =	sdelay $0x1  }
0xe7: {  	v4 =	vadd.s32 v1, v4;
	_ =	sdelay $0x1  }
0xe8: {  	s0 =	sld [smem:$0x7FC];
	v3 =	vperm.xlane v3, v2;
	_ =	sdelay $0x1  }
0xe9: {  	s8 =	sld [smem:$0x7FD];
	v3 =	vadd.s32 v1, v3  }
0xea: {  	[tilespmem:s0], [sflag:$0x2] =	stream.indirect_vreg.gather [hbm4b:s3+s2], $0x80, v4, vm0, $0xb8;
	[tilespmem:$0x18100] =	vst v63  }
0xeb: {  	_ = 	snop  }
0xec: {  	[tilespmem:s8], [sflag:$0x2] =	stream.indirect_vreg.gather [hbm4b:s4+s2], $0x80, v4, vm1, $0xb8;
	[tilespmem:$0x18100] =	vst v63  }
0xed: {  	s8 =	simm.s32 $0xFC00  }
0xee: {  	[tilespmem:s8], [sflag:$0x2] =	stream.indirect_vreg.gather [hbm4b:s3+s2], $0x80, v3, vm0, $0xb8;
	[tilespmem:$0x18100] =	vst v63  }
0xef: {  	_ = 	snop  }
0xf0: {  	[tilespmem:s9], [sflag:$0x2] =	stream.indirect_vreg.gather [hbm4b:s4+s2], $0x80, v3, vm1, $0xb8;
	[tilespmem:$0x18100] =	vst v63  }
0xf1: {  	v3 =	vld [tilespmem:$0x180B0];
	_ =	sdelay $0x4  }
0xf2: {  	v59 =	vshrl.u32 v3, $0x3  }
0xf3: {  	v4 =	vmul.u32 $0x18, v59  }
0xf4: {  	v3 =	vand.u32 $0x7, v3  }
0xf5: {  	v3 =	vor.u32 v3, v4  }
0xf6: {  	v4 =	vperm.xlane v3, v0;
	_ =	sdelay $0x1  }
0xf7: {  	v4 =	vadd.s32 v1, v4;
	_ =	sdelay $0x1  }
0xf8: {  	v3 =	vperm.xlane v3, v2;
	_ =	sdelay $0x1  }
0xf9: {  	v3 =	vadd.s32 v1, v3  }
0xfa: {  	[tilespmem:s10], [sflag:$0x2] =	stream.indirect_vreg.gather [hbm4b:s3+s2], $0x80, v4, vm0, $0xb8;
	[tilespmem:$0x18100] =	vst v63  }
0xfb: {  	_ = 	snop  }
0xfc: {  	[tilespmem:s11], [sflag:$0x2] =	stream.indirect_vreg.gather [hbm4b:s4+s2], $0x80, v4, vm1, $0xb8;
	[tilespmem:$0x18100] =	vst v63  }
0xfd: {  	_ = 	snop  }
0xfe: {  	[tilespmem:s12], [sflag:$0x2] =	stream.indirect_vreg.gather [hbm4b:s3+s2], $0x80, v3, vm0, $0xb8;
	[tilespmem:$0x18100] =	vst v63  }
0xff: {  	_ = 	snop  }
0x100: {  	[tilespmem:s13], [sflag:$0x2] =	stream.indirect_vreg.gather [hbm4b:s4+s2], $0x80, v3, vm1, $0xb8;
	[tilespmem:$0x18100] =	vst v63  }
0x101: {  	v3 =	vld [tilespmem:$0x180C0];
	_ =	sdelay $0x4  }
0x102: {  	v60 =	vshrl.u32 v3, $0x3  }
0x103: {  	v4 =	vmul.u32 $0x18, v60  }
0x104: {  	v3 =	vand.u32 $0x7, v3  }
0x105: {  	v3 =	vor.u32 v3, v4  }
0x106: {  	v4 =	vperm.xlane v3, v0;
	_ =	sdelay $0x1  }
0x107: {  	v4 =	vadd.s32 v1, v4;
	_ =	sdelay $0x1  }
0x108: {  	v3 =	vperm.xlane v3, v2;
	_ =	sdelay $0x1  }
0x109: {  	v3 =	vadd.s32 v1, v3  }
0x10a: {  	[tilespmem:s14], [sflag:$0x2] =	stream.indirect_vreg.gather [hbm4b:s3+s2], $0x80, v4, vm0, $0xb8;
	[tilespmem:$0x18100] =	vst v63  }
0x10b: {  	_ = 	snop  }
0x10c: {  	[tilespmem:s15], [sflag:$0x2] =	stream.indirect_vreg.gather [hbm4b:s4+s2], $0x80, v4, vm1, $0xb8;
	[tilespmem:$0x18100] =	vst v63  }
0x10d: {  	_ = 	snop  }
0x10e: {  	[tilespmem:s16], [sflag:$0x2] =	stream.indirect_vreg.gather [hbm4b:s3+s2], $0x80, v3, vm0, $0xb8;
	[tilespmem:$0x18100] =	vst v63  }
0x10f: {  	_ = 	snop  }
0x110: {  	[tilespmem:s17], [sflag:$0x2] =	stream.indirect_vreg.gather [hbm4b:s4+s2], $0x80, v3, vm1, $0xb8;
	[tilespmem:$0x18100] =	vst v63  }
0x111: {  	v3 =	vld [tilespmem:$0x180D0];
	_ =	sdelay $0x4  }
0x112: {  	v61 =	vshrl.u32 v3, $0x3  }
0x113: {  	v4 =	vmul.u32 $0x18, v61  }
0x114: {  	v3 =	vand.u32 $0x7, v3  }
0x115: {  	v3 =	vor.u32 v3, v4  }
0x116: {  	v4 =	vperm.xlane v3, v0;
	_ =	sdelay $0x1  }
0x117: {  	v4 =	vadd.s32 v1, v4;
	_ =	sdelay $0x1  }
0x118: {  	v3 =	vperm.xlane v3, v2;
	_ =	sdelay $0x1  }
0x119: {  	v3 =	vadd.s32 v1, v3  }
0x11a: {  	[tilespmem:s18], [sflag:$0x2] =	stream.indirect_vreg.gather [hbm4b:s3+s2], $0x80, v4, vm0, $0xb8;
	[tilespmem:$0x18100] =	vst v63  }
0x11b: {  	_ = 	snop  }
0x11c: {  	[tilespmem:s19], [sflag:$0x2] =	stream.indirect_vreg.gather [hbm4b:s4+s2], $0x80, v4, vm1, $0xb8;
	[tilespmem:$0x18100] =	vst v63  }
0x11d: {  	_ = 	snop  }
0x11e: {  	[tilespmem:s20], [sflag:$0x2] =	stream.indirect_vreg.gather [hbm4b:s3+s2], $0x80, v3, vm0, $0xb8;
	[tilespmem:$0x18100] =	vst v63  }
0x11f: {  	_ = 	snop  }
0x120: {  	[tilespmem:s21], [sflag:$0x2] =	stream.indirect_vreg.gather [hbm4b:s4+s2], $0x80, v3, vm1, $0xb8;
	[tilespmem:$0x18100] =	vst v63  }
0x121: {  	v3 =	vld [tilespmem:$0x180E0];
	_ =	sdelay $0x4  }
0x122: {  	v62 =	vshrl.u32 v3, $0x3  }
0x123: {  	v4 =	vmul.u32 $0x18, v62  }
0x124: {  	v3 =	vand.u32 $0x7, v3  }
0x125: {  	v3 =	vor.u32 v3, v4  }
0x126: {  	v4 =	vperm.xlane v3, v0;
	_ =	sdelay $0x1  }
0x127: {  	v4 =	vadd.s32 v1, v4;
	_ =	sdelay $0x1  }
0x128: {  	v3 =	vperm.xlane v3, v2;
	_ =	sdelay $0x1  }
0x129: {  	v3 =	vadd.s32 v1, v3  }
0x12a: {  	[tilespmem:s22], [sflag:$0x2] =	stream.indirect_vreg.gather [hbm4b:s3+s2], $0x80, v4, vm0, $0xb8;
	[tilespmem:$0x18100] =	vst v63  }
0x12b: {  	_ = 	snop  }
0x12c: {  	[tilespmem:s23], [sflag:$0x2] =	stream.indirect_vreg.gather [hbm4b:s4+s2], $0x80, v4, vm1, $0xb8;
	[tilespmem:$0x18100] =	vst v63  }
0x12d: {  	_ = 	snop  }
0x12e: {  	[tilespmem:s24], [sflag:$0x2] =	stream.indirect_vreg.gather [hbm4b:s3+s2], $0x80, v3, vm0, $0xb8;
	[tilespmem:$0x18100] =	vst v63  }
0x12f: {  	_ = 	snop  }
0x130: {  	[tilespmem:s25], [sflag:$0x2] =	stream.indirect_vreg.gather [hbm4b:s4+s2], $0x80, v3, vm1, $0xb8;
	[tilespmem:$0x18100] =	vst v63  }
0x131: {  	v3 =	vld [tilespmem:$0x180F0];
	_ =	sdelay $0x4  }
0x132: {  	v63 =	vshrl.u32 v3, $0x3  }
0x133: {  	v4 =	vmul.u32 $0x18, v63  }
0x134: {  	v3 =	vand.u32 $0x7, v3  }
0x135: {  	v3 =	vor.u32 v3, v4  }
0x136: {  	v4 =	vperm.xlane v3, v0;
	_ =	sdelay $0x1  }
0x137: {  	v4 =	vadd.s32 v1, v4;
	_ =	sdelay $0x1  }
0x138: {  	v3 =	vperm.xlane v3, v2;
	_ =	sdelay $0x1  }
0x139: {  	v3 =	vadd.s32 v1, v3  }
0x13a: {  	[tilespmem:s26], [sflag:$0x2] =	stream.indirect_vreg.gather [hbm4b:s3+s2], $0x80, v4, vm0, $0xb8;
	[tilespmem:$0x18100] =	vst v63  }
0x13b: {  	_ = 	snop  }
0x13c: {  	[tilespmem:s28], [sflag:$0x2] =	stream.indirect_vreg.gather [hbm4b:s4+s2], $0x80, v4, vm1, $0xb8;
	[tilespmem:$0x18100] =	vst v63  }
0x13d: {  	_ = 	snop  }
0x13e: {  	[tilespmem:s29], [sflag:$0x2] =	stream.indirect_vreg.gather [hbm4b:s3+s2], $0x80, v3, vm0, $0xb8;
	[tilespmem:$0x18100] =	vst v63  }
0x13f: {  	_ = 	snop  }
0x140: {  	[tilespmem:s30], [sflag:$0x2] =	stream.indirect_vreg.gather [hbm4b:s4+s2], $0x80, v3, vm1, $0xb8;
	[tilespmem:$0x18100] =	vst v63  }
0x141: {  	_ =	swait.ge [sflag:s31], $0xC000  }
0x142: {  	[sflag:s31] =	ssyncset.done $0x0  }
0x143: {  	[sflag:s31] =	ssyncadd.s32 $0xFFFF4000  }
0x144: {  	_ =	swait.ge [sflag:s1], $0xC000  }
0x145: {  	[sflag:s1] =	ssyncset.done $0x0  }
0x146: {  	s8 =	rddreg [dreg:$0x5];
	[sflag:s1] =	ssyncadd.s32 $0xFFFF4000  }
0x147: {  	[hbm4b:s8+s2] =	stream.linear.scatter [tilespmem:s2], [sflag:$0x3], $0xC000, $0x38;
	[tilespmem:$0x18100] =	vst v63  }
0x148: {  	_ =	swait.ge [sflag:s6], $0xC000  }
0x149: {  	p0 =	sne.s32 s5, $0x1;
	[sflag:s6] =	ssyncset.done $0x0  }
.Ltmp0:
0x14a: {  	s8 =	rddreg [dreg:$0x6];
	[sflag:s6] =	ssyncadd.s32 $0xFFFF4000;
	(pc) =	sbr.rel @p0 .LBB2_1-.Ltmp0, $4  }
0x14b: {  	[hbm4b:s8+s2] =	stream.linear.scatter [tilespmem:s7], [sflag:$0x3], $0xC000, $0x38;
	[tilespmem:$0x18100] =	vst v63  }
0x14c: {  	_ =	swait.ge [sflag:s6], $0xC000  }
0x14d: {  	[sflag:s6] =	ssyncset.done $0x0  }
0x14e: {  	s5 =	sadd.s32 $0xFFFFFFFF, s5;
	[sflag:s6] =	ssyncadd.s32 $0xFFFF4000  }
0x14f: {  	_ =	sfence.sel $0x180000  }
0x150: {  	[bflag:$0x0] =	sbarrier.arrive $0xFFFF  }
0x151: {  	_ =	strace $0x9000004A  }
0x152: {  	s0 =	stileid.u32;
	[bflag:$0x2] =	sbarrier.arrive $0xFFFF  }
0x153: {  	p0 =	sne.s32 s0, $0x0;
	s0 =	rddreg [dreg:$0x2]  }
0x154: {  	s0 =	sadd.s32 @!p0 $0x100000, s0  }
0x155: {  	[sflag:s0] =	ssyncadd.tile.s32 @!p0 $0x1;
	_ =	shalt  }
.Lfunc_end2:
_tile_overlayer_lowered:
.L_overlay_start_2:
0x156: {  	(tag) =	ssettag $0x2  }
0x157: {  	s0 =	rddreg [dreg:$0x0];
	s2 =	stileid.u32  }
0x158: {  	s1 =	rddreg [dreg:$0x1];
	p0 =	sne.s32 s2, $0x0  }
0x159: {  	s3 =	rddreg [dreg:$0x2];
	[bflag:$0x3] =	sbarrier.arrive $0xFFFF;
	s2 =	simm.s32 @!p0 $0x1C03  }
0x15a: {  	[timem:s3], [sflag:s2] =	dma.local @!p0 [hbm:s0], s1  }
0x15b: {  	s0 =	simm.s32 @!p0 $0x3  }
0x15c: {  	_ =	swait.ge @!p0 [sflag:s0], s1  }
0x15d: {  	s1 =	ssub.s32 @!p0 $0x0, s1;
	[sflag:s0] =	ssyncset.done @!p0 $0x0  }
0x15e: {  	[sflag:s0] =	ssyncadd.s32 @!p0 s1  }
0x15f: {  	[bflag:$0x3] =	sbarrier.arrive $0xFFFF  }
0x160: {  	_ =	shalt  }

// kernel: kernel.7.cloned.1.call-start
scs
__scs_entry_jumppad:
0x0: {  	(pc) =	sbr.rel $0x88, $3  }
0x1: {  	(tag) =	ssettag $0x0;
	lr =	simm.s32 $0x1  }
0x2: {  	[smem:$0x3F9A] =	sst lr;
	_ =	strace $0xD0000000  }
0x3: {  	_ = 	snop  }
0x4: {  	_ = 	snop  }
0x5: {  	_ = 	snop  }
0x6: {  	_ = 	snop  }
0x7: {  	_ = 	snop  }
__scs_overlays_trampoline_lowered:
0x8: {  	[smem:$0x3FA9] =	sst s0  }
0x9: {  	[smem:$0x3FAA] =	sst s1  }
0xa: {  	[smem:$0x3FAB] =	sst s2  }
0xb: {  	[smem:$0x3FAC] =	sst s3  }
0xc: {  	[smem:$0x3FAD] =	sst s4  }
0xd: {  	[smem:$0x3FAE] =	sst s5  }
0xe: {  	[smem:$0x3FAF] =	sst s6  }
0xf: {  	[smem:$0x3FB0] =	sst s7  }
0x10: {  	[smem:$0x3FB1] =	sst s8  }
0x11: {  	[smem:$0x3FB2] =	sst s9;
	s0 =	simm.s32 @!p0 $0x0  }
0x12: {  	s1 =	sld [smem:$0x3F98];
	s0 =	simm.s32 @p0 $0x1  }
0x13: {  	[smem:$0x3FB3] =	sst s0;
	s0 =	simm.s32 @!p1 $0x0  }
0x14: {  	s2 =	sld [smem:$0x3F97];
	s0 =	simm.s32 @p1 $0x1  }
0x15: {  	[smem:$0x3FB4] =	sst s0;
	s0 =	simm.s32 @!p2 $0x0  }
0x16: {  	s3 =	sld [smem:$0x3FDB];
	s0 =	simm.s32 @p2 $0x1  }
0x17: {  	s4 =	simm.s32 $0x1BF5;
	[smem:$0x3FB6] =	sst s0  }
0x18: {  	s0 =	sld [smem:$0x3F99];
	_ =	swait.ge [sflag:s4], $0x0  }
0x19: {  	s7 =	sld [smem:$0x3F9A]  }
0x1a: {  	s8 =	sadd.s32 $0xFFFFE003, lr  }
0x1b: {  	s9 =	sadd.s32 $0xFFFFFEF7, lr;
	s5 =	simm.s32 $0xFFFFFFFF;
	p2 =	slt.u32 s8, $0xFFFFF086  }
0x1c: {  	p1 =	slt.u32 s9, $0xF7A;
	s5 =	simm.s32 @!p2 $0x0  }
0x1d: {  	s5 =	simm.s32 @p1 $0x1;
	p0 =	seq.s32 s7, s2  }
0x1e: {  	s7 =	smul.u32 @!p0 $0xF7A, s2;
	p2 =	seq.s32 @!p0 s5, $0x0  }
0x1f: {  	s9 =	smul.u32 $0xF7A, s1;
	s8 =	simm.s32 @!p0 $0x1BF5;
	p2 =	por !p2, p0  }
0x20: {  	[sflag:s8] =	ssyncset.s32 @!p0 $0xFFFFF086;
	s6 =	sadd.s32 @!p0 s3, s7;
	s7 =	simm.s32 @!p0 $0x108  }
0x21: {  	s3 =	sadd.s32 s3, s9;
	s6 =	sadd.s32 @!p0 $0x88, s6;
	s7 =	simm.s32 @p2 $0x1082  }
0x22: {  	[simem:s7], [sflag:s8] =	dma.local @!p0 [hbm:s6], $0xF7A  }
0x23: {  	s9 =	sor.u32 $0xD0000000, s2;
	s6 =	simm.s32 $0x108;
	_ =	swait.ge @!p0 [sflag:s8], $0x0  }
0x24: {  	s3 =	sadd.s32 $0x88, s3;
	s6 =	simm.s32 @!p1 $0x1082;
	[sflag:s4] =	ssyncset.s32 $0xFFFFF086  }
0x25: {  	[simem:s6], [sflag:s4] =	dma.local [hbm:s3], $0xF7A  }
0x26: {  	[smem:$0x3F9A] =	sst s1;
	(tag) =	ssettag s2;
	_ =	strace s9  }
0x27: {  	s1 =	sld [smem:$0x3FAA]  }
0x28: {  	s2 =	sld [smem:$0x3FAB]  }
0x29: {  	s4 =	sld [smem:$0x3FAD]  }
0x2a: {  	p0 =	seq.s32 s5, $0x0;
	s5 =	sld [smem:$0x3FAE]  }
0x2b: {  	s6 =	sld [smem:$0x3FAF]  }
0x2c: {  	s7 =	sld [smem:$0x3FB0]  }
0x2d: {  	s3 =	simm.s32 $0x108;
	s8 =	sld [smem:$0x3FB1]  }
0x2e: {  	s3 =	simm.s32 @!p0 $0x1082;
	s9 =	sld [smem:$0x3FB2]  }
0x2f: {  	lr =	sadd.s32 s0, s3;
	s0 =	sld [smem:$0x3FA9]  }
0x30: {  	s3 =	sld [smem:$0x3FAC]  }
0x31: {  	[smem:$0x3FB5] =	sst s10  }
0x32: {  	s10 =	sld [smem:$0x3FB3];
	_ =	sdelay $0x3  }
0x33: {  	p0 =	seq.s32 s10, $0x1;
	s10 =	sld [smem:$0x3FB5];
	_ =	sdelay $0x3  }
0x34: {  	[smem:$0x3FB5] =	sst s10  }
0x35: {  	s10 =	sld [smem:$0x3FB4];
	_ =	sdelay $0x3  }
0x36: {  	p1 =	seq.s32 s10, $0x1;
	s10 =	sld [smem:$0x3FB5];
	_ =	sdelay $0x3  }
0x37: {  	[smem:$0x3FB5] =	sst s10  }
0x38: {  	s10 =	sld [smem:$0x3FB6]  }
0x39: {  	_ = 	snop;
	(pc) =	sbr.ind lr, $3  }
0x3a: {  	_ = 	snop  }
0x3b: {  	_ = 	snop  }
0x3c: {  	p2 =	seq.s32 s10, $0x1;
	s10 =	sld [smem:$0x3FB5]  }
0x3d: {  	_ =	shalt  }
0x3e: {  	_ =	shalt  }
0x3f: {  	_ =	shalt  }
0x40: {  	_ =	shalt  }
0x41: {  	_ =	shalt  }
0x42: {  	_ =	shalt  }
0x43: {  	_ =	shalt  }
0x44: {  	_ =	shalt  }
0x45: {  	_ =	shalt  }
0x46: {  	_ =	shalt  }
0x47: {  	_ =	shalt  }
0x48: {  	_ =	shalt  }
0x49: {  	_ =	shalt  }
0x4a: {  	_ =	shalt  }
0x4b: {  	_ =	shalt  }
0x4c: {  	_ =	shalt  }
0x4d: {  	_ =	shalt  }
0x4e: {  	_ =	shalt  }
0x4f: {  	_ =	shalt  }
0x50: {  	_ =	shalt  }
0x51: {  	_ =	shalt  }
0x52: {  	_ =	shalt  }
0x53: {  	_ =	shalt  }
0x54: {  	_ =	shalt  }
0x55: {  	_ =	shalt  }
0x56: {  	_ =	shalt  }
0x57: {  	_ =	shalt  }
0x58: {  	_ =	shalt  }
0x59: {  	_ =	shalt  }
0x5a: {  	_ =	shalt  }
0x5b: {  	_ =	shalt  }
0x5c: {  	_ =	shalt  }
0x5d: {  	_ =	shalt  }
0x5e: {  	_ =	shalt  }
0x5f: {  	_ =	shalt  }
0x60: {  	_ =	shalt  }
0x61: {  	_ =	shalt  }
0x62: {  	_ =	shalt  }
0x63: {  	_ =	shalt  }
0x64: {  	_ =	shalt  }
0x65: {  	_ =	shalt  }
0x66: {  	_ =	shalt  }
0x67: {  	_ =	shalt  }
0x68: {  	_ =	shalt  }
0x69: {  	_ =	shalt  }
0x6a: {  	_ =	shalt  }
0x6b: {  	_ =	shalt  }
0x6c: {  	_ =	shalt  }
0x6d: {  	_ =	shalt  }
0x6e: {  	_ =	shalt  }
0x6f: {  	_ =	shalt  }
0x70: {  	_ =	shalt  }
0x71: {  	_ =	shalt  }
0x72: {  	_ =	shalt  }
0x73: {  	_ =	shalt  }
0x74: {  	_ =	shalt  }
0x75: {  	_ =	shalt  }
0x76: {  	_ =	shalt  }
0x77: {  	_ =	shalt  }
0x78: {  	_ =	shalt  }
0x79: {  	_ =	shalt  }
0x7a: {  	_ =	shalt  }
0x7b: {  	_ =	shalt  }
0x7c: {  	_ =	shalt  }
0x7d: {  	_ =	shalt  }
0x7e: {  	_ =	shalt  }
0x7f: {  	_ =	shalt  }
0x80: {  	_ =	shalt  }
0x81: {  	_ =	shalt  }
0x82: {  	_ =	shalt  }
0x83: {  	_ =	shalt  }
0x84: {  	_ =	shalt  }
0x85: {  	_ =	shalt  }
0x86: {  	_ =	shalt  }
0x87: {  	_ =	shalt  }
.Lfunc_end0:
.L_simem_size_0:
called_computation_lowered:
.L_overlay_start_0:
0x88: {  	s2 =	sld [smem:$0x3FD9]  }
0x89: {  	s3 =	sld [smem:$0x3FFE];
	_ =	sdelay $0x1  }
0x8a: {  	s1 =	srdreg.scid  }
0x8b: {  	s0 =	sand.u32 $0x1, s1  }
0x8c: {  	s17 =	sshll.u32 s0, $0xA;
	s2 =	sadd.s32 s3, s2  }
0x8d: {  	s2 =	sadd.s32 s2, s17  }
0x8e: {  	[smem:$0x3FC1] =	sst s2  }
0x8f: {  	_ = 	snop  }
0x90: {  	s2 =	sld [smem:$0x3FC9];
	(tm) =	ssettm $0x1  }
0x91: {  	s18 =	sld [smem:$0x3FFB];
	_ =	sdelay $0x3  }
0x92: {  	_ =	strace s18  }
0x93: {  	s3 =	sld [smem:$0x3FFC];
	_ =	sdelay $0x3  }
0x94: {  	_ =	strace s3  }
0x95: {  	s3 =	sld [smem:$0x3FFD];
	_ =	sdelay $0x3  }
0x96: {  	_ =	strace s3  }
0x97: {  	_ =	strace $0x8FFFFFFF  }
0x98: {  	s19 =	sld [smem:$0x3FDB];
	_ =	sdelay $0x1  }
0x99: {  	s4 =	simm.s32 $_scs_section_size  }
0x9a: {  	s5 =	simm.s32 $_size__tile_overlayer_lowered;
	s6 =	simm.s32 $_tile_overlayer_lowered  }
0x9b: {  	s22 =	simm.s32 $0x1BFF;
	s21 =	sshll.u32 s6, $0x1;
	s3 =	sadd.s32 s4, s19  }
0x9c: {  	s7 =	simm.s32 $0x0;
	s20 =	sshll.u32 s5, $0x1;
	s5 =	sadd.s32 s21, s3  }
0x9d: {  	[timem:s7], [sflag:s22] =	dma.local [hbm:s5], s20  }
0x9e: {  	_ =	swait.ge [sflag:s22], s20  }
0x9f: {  	s4 =	ssub.s32 $0x0, s20;
	[sflag:s22] =	ssyncset.done $0x0  }
0xa0: {  	[sflag:s22] =	ssyncadd.s32 s4;
	_ =	sdelay $0x1  }
0xa1: {  	s23 =	simm.s32 $0x1B8B  }
0xa2: {  	_ =	swait.ge [sflag:s23], $0x1  }
0xa3: {  	[sflag:s23] =	ssyncset.done $0x0  }
0xa4: {  	s25 =	simm.s32 $0x1B8E;
	s24 =	sld [smem:$0x3FFE];
	[sflag:s23] =	ssyncadd.s32 $0xFFFFFFFF  }
0xa5: {  	s26 =	simm.s32 $execute0_lowered;
	[smem:$0x3FD2] =	sst s25  }
0xa6: {  	s5 =	sshll.u32 s26, $0x1;
	_ =	strace $0x80000046;
	[dreg:$0x1] =	wrdreg $0xFFFFFFFF  }
0xa7: {  	s28 =	simm.s32 $_size_execute0_lowered;
	s3 =	sadd.s32 s3, s5;
	[dreg:$0x0] =	wrdreg $0x0  }
0xa8: {  	s5 =	sshll.u32 s28, $0x1;
	[dreg:$0x2] =	wrdreg s3  }
0xa9: {  	[dreg:$0x3] =	wrdreg s5  }
0xaa: {  	[dreg:$0x4] =	wrdreg $0xC0  }
0xab: {  	_ =	task [dreg:s7], $0x5FFFF  }
0xac: {  	[dreg:$0x1] =	wrdreg $0xFFFFFFFF  }
0xad: {  	[dreg:$0x0] =	wrdreg $0x60  }
0xae: {  	[dreg:$0x2] =	wrdreg s2  }
0xaf: {  	[dreg:$0x3] =	wrdreg s24  }
0xb0: {  	[dreg:$0x4] =	wrdreg $0x9  }
0xb1: {  	_ =	task.clear_ibuf [dreg:s7], $0x5FFFF;
	_ =	strace $0x90000046  }
0xb2: {  	s29 =	simm.s32 $0x9;
	_ =	strace $0x80000048  }
0xb3: {  	_ =	swait.ge [sflag:s29], $0x1  }
0xb4: {  	[sflag:s29] =	ssyncadd.s32 $0xFFFFFFFF  }
0xb5: {  	_ =	strace $0x90000048  }
0xb6: {  	_ =	sfence  }
0xb7: {  	s30 =	sld [smem:$0x0];
	_ =	sdelay $0x2  }
0xb8: {  	s31 =	sshll.u32 s1, $0xD;
	s1 =	sshrl.u32 s1, $0x2  }
0xb9: {  	s3 =	sand.u32 $0x4000, s31;
	s1 =	sadd.s32 s1, s30  }
0xba: {  	s0 =	sor.u32 s3, s0;
	s1 =	sshll.u32 s1, $0x11  }
0xbb: {  	s0 =	sor.u32 s1, s0  }
0xbc: {  	s0 =	sadd.s32 $0x8F2B, s0  }
0xbd: {  	[sflag:s0] =	ssyncadd.remote.s32 $0x1  }
0xbe: {  	_ =	sfence.sel $0xFFFF  }
0xbf: {  	[dreg:$0x0] =	wrdreg $0xFFFFFFFF;
	(pc) =	sbr.abs _section_cstart, $3  }
0xc0: {  	[dreg:$0x1] =	wrdreg $0xFFFFFFFF  }
0xc1: {  	_ =	task.clear_ibuf [dreg:s7], $0x2FFFF;
	_ =	strace $0x9FFFFFFF  }
0xc2: {  	(tm) =	ssettm $0x7FFFFFFF  }
0xc3: {  	_ =	shalt  }
tec
execute0_lowered:
.L_overlay_start_1:
0x0: {  	(tag) =	ssettag $0x1  }
0x1: {  	s0 =	rddreg [dreg:$0x0];
	s1 =	srdreg.scid  }
0x2: {  	s2 =	stileid.u32;
	s4 =	rddreg [dreg:$0x1];
	s25 =	simm.s32 $0xC000  }
0x3: {  	s26 =	simm.s32 $0xC080;
	s16 =	simm.s32 $0x1400;
	s17 =	simm.s32 $0x1800  }
0x4: {  	s18 =	simm.s32 $0x2000;
	s19 =	simm.s32 $0x2400;
	s20 =	simm.s32 $0x2C00  }
0x5: {  	s21 =	simm.s32 $0x3000;
	s28 =	simm.s32 $0x5400;
	s29 =	simm.s32 $0x5C00  }
0x6: {  	s30 =	simm.s32 $0x6000;
	s31 =	simm.s32 $0x6800;
	s7 =	simm.s32 $0x7800  }
0x7: {  	s8 =	simm.s32 $0x8000;
	s9 =	simm.s32 $0x8400;
	s10 =	simm.s32 $0x8C00  }
0x8: {  	s11 =	simm.s32 $0x9000;
	s12 =	simm.s32 $0x9800;
	s13 =	simm.s32 $0x9C00  }
0x9: {  	s1 =	sand.u32 $0x1, s1;
	s3 =	sshll.u32 s2, $0x1;
	s2 =	simm.s32 $0x0  }
0xa: {  	s3 =	sor.u32 s1, s3;
	[smem:$0x7FF] =	sst s2;
	s1 =	ssub.s32 $0x2, s1  }
0xb: {  	s5 =	smul.u32 $0x1800, s3;
	_ =	strace $0x80000047;
	[dreg:$0x6] =	wrdreg s25  }
0xc: {  	s3 =	sshll.u32 s3, $0x4;
	s23 =	sshrl.u32 s1, $0x1;
	[dreg:$0x7] =	wrdreg s26  }
0xd: {  	s25 =	simm.s32 $0x4800;
	s26 =	simm.s32 $0x5000;
	s6 =	sadd.s32 s3, s4  }
0xe: {  	s3 =	sadd.s32 $0x2000, s4;
	s1 =	ssub.s32 s1, s23;
	s4 =	sadd.s32 $0x2100, s4  }
0xf: {  	s23 =	simm.s32 $0x3C00;
	s0 =	sadd.s32 s0, s5;
	s22 =	sadd.s32 $0x1E00, s6  }
0x10: {  	v2 =	vlaneseq.u32;
	s24 =	sadd.s32 $0x1C00, s6;
	s5 =	smax.u32 s1, $0x1;
	[dreg:$0x3] =	wrdreg s0  }
0x11: {  	vm0 =	vmmov $0xffff;
	vm1 =	vmmov $0xff;
	v1 =	vshrl.u32 v2, $0x3;
	s6 =	simm.s32 $0x3;
	s1 =	simm.s32 $0x6C00;
	[dreg:$0x4] =	wrdreg s22  }
0x12: {  	v0 =	vand.u32 $0x7, v2;
	v2 =	vor.u32 $0x8, v2;
	v1 =	vmul.u32 $0x8, v1;
	[dreg:$0x5] =	wrdreg s24;
	s22 =	simm.s32 $0x3800;
	s24 =	simm.s32 $0x4400  }
.LBB2_1:
0x13: {  	s14 =	rddreg [dreg:$0x3]  }
0x14: {  	[tilespmem:s2], [sflag:$0x3] =	stream.linear.gather [hbm4b:s14+s2], $0xC000, $0x38;
	[tilespmem:$0xC100] =	vst v63  }
0x15: {  	_ =	swait.ge [sflag:s6], $0xC000  }
0x16: {  	s0 =	rddreg [dreg:$0x4];
	[sflag:s6] =	ssyncset.done $0x0  }
0x17: {  	s15 =	rddreg [dreg:$0x6];
	[sflag:s6] =	ssyncadd.s32 $0xFFFF4000  }
0x18: {  	[tilespmem:s15], [sflag:$0x3] =	stream.linear.gather [hbm4b:s0+s2], $0x80, $0x38;
	[tilespmem:$0xC100] =	vst v63  }
0x19: {  	_ =	swait.ge [sflag:s6], $0x80  }
0x1a: {  	s15 =	rddreg [dreg:$0x5];
	[sflag:s6] =	ssyncset.done $0x0  }
0x1b: {  	s0 =	rddreg [dreg:$0x7];
	[sflag:s6] =	ssyncadd.s32 $0xFFFFFF80  }
0x1c: {  	[tilespmem:s0], [sflag:$0x3] =	stream.linear.gather [hbm4b:s15+s2], $0x80, $0x38;
	[tilespmem:$0xC100] =	vst v63  }
0x1d: {  	_ =	swait.ge [sflag:s6], $0x80  }
0x1e: {  	[sflag:s6] =	ssyncset.done $0x0  }
0x1f: {  	[sflag:s6] =	ssyncadd.s32 $0xFFFFFF80  }
0x20: {  	v3 =	vld [tilespmem:$0xC000];
	_ =	sdelay $0x4  }
0x21: {  	v4 =	vshrl.u32 v3, $0x3  }
0x22: {  	v4 =	vmul.u32 $0x18, v4  }
0x23: {  	v3 =	vand.u32 $0x7, v3  }
0x24: {  	v3 =	vor.u32 v3, v4  }
0x25: {  	v4 =	vperm.xlane v3, v0;
	_ =	sdelay $0x1  }
0x26: {  	v4 =	vadd.s32 v1, v4;
	_ =	sdelay $0x1  }
0x27: {  	v3 =	vperm.xlane v3, v2;
	_ =	sdelay $0x1  }
0x28: {  	v3 =	vadd.s32 v1, v3  }
0x29: {  	[hbm4b:s3+s2] =	stream.indirect_vreg.scatter [tilespmem:s2], [sflag:$0x1], $0x80, v4, vm0, $0xb8;
	[tilespmem:$0xC100] =	vst v63  }
0x2a: {  	s14 =	simm.s32 $0x800  }
0x2b: {  	[hbm4b:s4+s2] =	stream.indirect_vreg.scatter [tilespmem:s14], [sflag:$0x1], $0x80, v4, vm1, $0xb8;
	[tilespmem:$0xC100] =	vst v63  }
0x2c: {  	s15 =	simm.s32 $0xC00  }
0x2d: {  	[hbm4b:s3+s2] =	stream.indirect_vreg.scatter [tilespmem:s15], [sflag:$0x1], $0x80, v3, vm0, $0xb8;
	[tilespmem:$0xC100] =	vst v63  }
0x2e: {  	_ = 	snop  }
0x2f: {  	[hbm4b:s4+s2] =	stream.indirect_vreg.scatter [tilespmem:s16], [sflag:$0x1], $0x80, v3, vm1, $0xb8;
	[tilespmem:$0xC100] =	vst v63  }
0x30: {  	v3 =	vld [tilespmem:$0xC010];
	_ =	sdelay $0x4  }
0x31: {  	v49 =	vshrl.u32 v3, $0x3  }
0x32: {  	v4 =	vmul.u32 $0x18, v49  }
0x33: {  	v3 =	vand.u32 $0x7, v3  }
0x34: {  	v3 =	vor.u32 v3, v4  }
0x35: {  	v4 =	vperm.xlane v3, v0;
	_ =	sdelay $0x1  }
0x36: {  	v4 =	vadd.s32 v1, v4;
	_ =	sdelay $0x1  }
0x37: {  	v3 =	vperm.xlane v3, v2;
	_ =	sdelay $0x1  }
0x38: {  	v3 =	vadd.s32 v1, v3  }
0x39: {  	[hbm4b:s3+s2] =	stream.indirect_vreg.scatter [tilespmem:s17], [sflag:$0x1], $0x80, v4, vm0, $0xb8;
	[tilespmem:$0xC100] =	vst v63  }
0x3a: {  	_ = 	snop  }
0x3b: {  	[hbm4b:s4+s2] =	stream.indirect_vreg.scatter [tilespmem:s18], [sflag:$0x1], $0x80, v4, vm1, $0xb8;
	[tilespmem:$0xC100] =	vst v63  }
0x3c: {  	_ = 	snop  }
0x3d: {  	[hbm4b:s3+s2] =	stream.indirect_vreg.scatter [tilespmem:s19], [sflag:$0x1], $0x80, v3, vm0, $0xb8;
	[tilespmem:$0xC100] =	vst v63  }
0x3e: {  	_ = 	snop  }
0x3f: {  	[hbm4b:s4+s2] =	stream.indirect_vreg.scatter [tilespmem:s20], [sflag:$0x1], $0x80, v3, vm1, $0xb8;
	[tilespmem:$0xC100] =	vst v63  }
0x40: {  	v3 =	vld [tilespmem:$0xC020];
	_ =	sdelay $0x4  }
0x41: {  	v50 =	vshrl.u32 v3, $0x3  }
0x42: {  	v4 =	vmul.u32 $0x18, v50  }
0x43: {  	v3 =	vand.u32 $0x7, v3  }
0x44: {  	v3 =	vor.u32 v3, v4  }
0x45: {  	v4 =	vperm.xlane v3, v0;
	_ =	sdelay $0x1  }
0x46: {  	v4 =	vadd.s32 v1, v4;
	_ =	sdelay $0x1  }
0x47: {  	v3 =	vperm.xlane v3, v2;
	_ =	sdelay $0x1  }
0x48: {  	v3 =	vadd.s32 v1, v3  }
0x49: {  	[hbm4b:s3+s2] =	stream.indirect_vreg.scatter [tilespmem:s21], [sflag:$0x1], $0x80, v4, vm0, $0xb8;
	[tilespmem:$0xC100] =	vst v63  }
0x4a: {  	_ = 	snop  }
0x4b: {  	[hbm4b:s4+s2] =	stream.indirect_vreg.scatter [tilespmem:s22], [sflag:$0x1], $0x80, v4, vm1, $0xb8;
	[tilespmem:$0xC100] =	vst v63  }
0x4c: {  	_ = 	snop  }
0x4d: {  	[hbm4b:s3+s2] =	stream.indirect_vreg.scatter [tilespmem:s23], [sflag:$0x1], $0x80, v3, vm0, $0xb8;
	[tilespmem:$0xC100] =	vst v63  }
0x4e: {  	_ = 	snop  }
0x4f: {  	[hbm4b:s4+s2] =	stream.indirect_vreg.scatter [tilespmem:s24], [sflag:$0x1], $0x80, v3, vm1, $0xb8;
	[tilespmem:$0xC100] =	vst v63  }
0x50: {  	v3 =	vld [tilespmem:$0xC030];
	_ =	sdelay $0x4  }
0x51: {  	v51 =	vshrl.u32 v3, $0x3  }
0x52: {  	v4 =	vmul.u32 $0x18, v51  }
0x53: {  	v3 =	vand.u32 $0x7, v3  }
0x54: {  	v3 =	vor.u32 v3, v4  }
0x55: {  	v4 =	vperm.xlane v3, v0;
	_ =	sdelay $0x1  }
0x56: {  	v4 =	vadd.s32 v1, v4;
	_ =	sdelay $0x1  }
0x57: {  	v3 =	vperm.xlane v3, v2;
	_ =	sdelay $0x1  }
0x58: {  	v3 =	vadd.s32 v1, v3  }
0x59: {  	[hbm4b:s3+s2] =	stream.indirect_vreg.scatter [tilespmem:s25], [sflag:$0x1], $0x80, v4, vm0, $0xb8;
	[tilespmem:$0xC100] =	vst v63  }
0x5a: {  	_ = 	snop  }
0x5b: {  	[hbm4b:s4+s2] =	stream.indirect_vreg.scatter [tilespmem:s26], [sflag:$0x1], $0x80, v4, vm1, $0xb8;
	[tilespmem:$0xC100] =	vst v63  }
0x5c: {  	_ = 	snop  }
0x5d: {  	[hbm4b:s3+s2] =	stream.indirect_vreg.scatter [tilespmem:s28], [sflag:$0x1], $0x80, v3, vm0, $0xb8;
	[tilespmem:$0xC100] =	vst v63  }
0x5e: {  	_ = 	snop  }
0x5f: {  	[hbm4b:s4+s2] =	stream.indirect_vreg.scatter [tilespmem:s29], [sflag:$0x1], $0x80, v3, vm1, $0xb8;
	[tilespmem:$0xC100] =	vst v63  }
0x60: {  	v3 =	vld [tilespmem:$0xC040];
	_ =	sdelay $0x4  }
0x61: {  	v52 =	vshrl.u32 v3, $0x3  }
0x62: {  	v4 =	vmul.u32 $0x18, v52  }
0x63: {  	v3 =	vand.u32 $0x7, v3  }
0x64: {  	v3 =	vor.u32 v3, v4  }
0x65: {  	v4 =	vperm.xlane v3, v0;
	_ =	sdelay $0x1  }
0x66: {  	v4 =	vadd.s32 v1, v4;
	_ =	sdelay $0x1  }
0x67: {  	v3 =	vperm.xlane v3, v2;
	_ =	sdelay $0x1  }
0x68: {  	v3 =	vadd.s32 v1, v3  }
0x69: {  	[hbm4b:s3+s2] =	stream.indirect_vreg.scatter [tilespmem:s30], [sflag:$0x1], $0x80, v4, vm0, $0xb8;
	[tilespmem:$0xC100] =	vst v63  }
0x6a: {  	_ = 	snop  }
0x6b: {  	[hbm4b:s4+s2] =	stream.indirect_vreg.scatter [tilespmem:s31], [sflag:$0x1], $0x80, v4, vm1, $0xb8;
	[tilespmem:$0xC100] =	vst v63  }
0x6c: {  	_ = 	snop  }
0x6d: {  	[hbm4b:s3+s2] =	stream.indirect_vreg.scatter [tilespmem:s1], [sflag:$0x1], $0x80, v3, vm0, $0xb8;
	[tilespmem:$0xC100] =	vst v63  }
0x6e: {  	s0 =	simm.s32 $0x7400  }
0x6f: {  	[hbm4b:s4+s2] =	stream.indirect_vreg.scatter [tilespmem:s0], [sflag:$0x1], $0x80, v3, vm1, $0xb8;
	[tilespmem:$0xC100] =	vst v63  }
0x70: {  	v3 =	vld [tilespmem:$0xC050];
	_ =	sdelay $0x4  }
0x71: {  	v53 =	vshrl.u32 v3, $0x3  }
0x72: {  	v4 =	vmul.u32 $0x18, v53  }
0x73: {  	v3 =	vand.u32 $0x7, v3  }
0x74: {  	v3 =	vor.u32 v3, v4  }
0x75: {  	v4 =	vperm.xlane v3, v0;
	_ =	sdelay $0x1  }
0x76: {  	v4 =	vadd.s32 v1, v4;
	_ =	sdelay $0x1  }
0x77: {  	v3 =	vperm.xlane v3, v2;
	_ =	sdelay $0x1  }
0x78: {  	v3 =	vadd.s32 v1, v3  }
0x79: {  	[hbm4b:s3+s2] =	stream.indirect_vreg.scatter [tilespmem:s7], [sflag:$0x1], $0x80, v4, vm0, $0xb8;
	[tilespmem:$0xC100] =	vst v63  }
0x7a: {  	_ = 	snop  }
0x7b: {  	[hbm4b:s4+s2] =	stream.indirect_vreg.scatter [tilespmem:s8], [sflag:$0x1], $0x80, v4, vm1, $0xb8;
	[tilespmem:$0xC100] =	vst v63  }
0x7c: {  	_ = 	snop  }
0x7d: {  	[hbm4b:s3+s2] =	stream.indirect_vreg.scatter [tilespmem:s9], [sflag:$0x1], $0x80, v3, vm0, $0xb8;
	[tilespmem:$0xC100] =	vst v63  }
0x7e: {  	_ = 	snop  }
0x7f: {  	[hbm4b:s4+s2] =	stream.indirect_vreg.scatter [tilespmem:s10], [sflag:$0x1], $0x80, v3, vm1, $0xb8;
	[tilespmem:$0xC100] =	vst v63  }
0x80: {  	v3 =	vld [tilespmem:$0xC060];
	_ =	sdelay $0x4  }
0x81: {  	v54 =	vshrl.u32 v3, $0x3  }
0x82: {  	v4 =	vmul.u32 $0x18, v54  }
0x83: {  	v3 =	vand.u32 $0x7, v3  }
0x84: {  	v3 =	vor.u32 v3, v4  }
0x85: {  	v4 =	vperm.xlane v3, v0;
	_ =	sdelay $0x1  }
0x86: {  	v4 =	vadd.s32 v1, v4;
	_ =	sdelay $0x1  }
0x87: {  	v3 =	vperm.xlane v3, v2;
	_ =	sdelay $0x1  }
0x88: {  	v3 =	vadd.s32 v1, v3  }
0x89: {  	[hbm4b:s3+s2] =	stream.indirect_vreg.scatter [tilespmem:s11], [sflag:$0x1], $0x80, v4, vm0, $0xb8;
	[tilespmem:$0xC100] =	vst v63  }
0x8a: {  	_ = 	snop  }
0x8b: {  	[hbm4b:s4+s2] =	stream.indirect_vreg.scatter [tilespmem:s12], [sflag:$0x1], $0x80, v4, vm1, $0xb8;
	[tilespmem:$0xC100] =	vst v63  }
0x8c: {  	_ = 	snop  }
0x8d: {  	[hbm4b:s3+s2] =	stream.indirect_vreg.scatter [tilespmem:s13], [sflag:$0x1], $0x80, v3, vm0, $0xb8;
	[tilespmem:$0xC100] =	vst v63  }
0x8e: {  	s0 =	simm.s32 $0xA400  }
0x8f: {  	[hbm4b:s4+s2] =	stream.indirect_vreg.scatter [tilespmem:s0], [sflag:$0x1], $0x80, v3, vm1, $0xb8;
	[tilespmem:$0xC100] =	vst v63  }
0x90: {  	v3 =	vld [tilespmem:$0xC070];
	_ =	sdelay $0x4  }
0x91: {  	v55 =	vshrl.u32 v3, $0x3  }
0x92: {  	v4 =	vmul.u32 $0x18, v55  }
0x93: {  	v3 =	vand.u32 $0x7, v3  }
0x94: {  	v3 =	vor.u32 v3, v4  }
0x95: {  	v4 =	vperm.xlane v3, v0;
	_ =	sdelay $0x1  }
0x96: {  	v4 =	vadd.s32 v1, v4;
	_ =	sdelay $0x1  }
0x97: {  	v3 =	vperm.xlane v3, v2;
	_ =	sdelay $0x1  }
0x98: {  	s0 =	simm.s32 $0xA800;
	v3 =	vadd.s32 v1, v3  }
0x99: {  	[hbm4b:s3+s2] =	stream.indirect_vreg.scatter [tilespmem:s0], [sflag:$0x1], $0x80, v4, vm0, $0xb8;
	[tilespmem:$0xC100] =	vst v63  }
0x9a: {  	s0 =	simm.s32 $0xB000  }
0x9b: {  	[hbm4b:s4+s2] =	stream.indirect_vreg.scatter [tilespmem:s0], [sflag:$0x1], $0x80, v4, vm1, $0xb8;
	[tilespmem:$0xC100] =	vst v63  }
0x9c: {  	s0 =	simm.s32 $0xB400  }
0x9d: {  	[hbm4b:s3+s2] =	stream.indirect_vreg.scatter [tilespmem:s0], [sflag:$0x1], $0x80, v3, vm0, $0xb8;
	[tilespmem:$0xC100] =	vst v63  }
0x9e: {  	s0 =	simm.s32 $0xBC00  }
0x9f: {  	[hbm4b:s4+s2] =	stream.indirect_vreg.scatter [tilespmem:s0], [sflag:$0x1], $0x80, v3, vm1, $0xb8;
	[tilespmem:$0xC100] =	vst v63  }
0xa0: {  	v3 =	vld [tilespmem:$0xC080];
	_ =	sdelay $0x4  }
0xa1: {  	v56 =	vshrl.u32 v3, $0x3  }
0xa2: {  	v4 =	vmul.u32 $0x18, v56  }
0xa3: {  	v3 =	vand.u32 $0x7, v3  }
0xa4: {  	v3 =	vor.u32 v3, v4  }
0xa5: {  	v4 =	vperm.xlane v3, v0;
	_ =	sdelay $0x1  }
0xa6: {  	v4 =	vadd.s32 v1, v4;
	_ =	sdelay $0x1  }
0xa7: {  	v3 =	vperm.xlane v3, v2;
	_ =	sdelay $0x1  }
0xa8: {  	v3 =	vadd.s32 v1, v3  }
0xa9: {  	[hbm4b:s3+s2] =	stream.indirect_vreg.scatter [tilespmem:s2], [sflag:$0x2], $0x80, v4, vm0, $0xb8;
	[tilespmem:$0xC100] =	vst v63  }
0xaa: {  	_ = 	snop  }
0xab: {  	[hbm4b:s4+s2] =	stream.indirect_vreg.scatter [tilespmem:s14], [sflag:$0x2], $0x80, v4, vm1, $0xb8;
	[tilespmem:$0xC100] =	vst v63  }
0xac: {  	_ = 	snop  }
0xad: {  	[hbm4b:s3+s2] =	stream.indirect_vreg.scatter [tilespmem:s15], [sflag:$0x2], $0x80, v3, vm0, $0xb8;
	[tilespmem:$0xC100] =	vst v63  }
0xae: {  	_ = 	snop  }
0xaf: {  	[hbm4b:s4+s2] =	stream.indirect_vreg.scatter [tilespmem:s16], [sflag:$0x2], $0x80, v3, vm1, $0xb8;
	[tilespmem:$0xC100] =	vst v63  }
0xb0: {  	v3 =	vld [tilespmem:$0xC090];
	_ =	sdelay $0x4  }
0xb1: {  	v57 =	vshrl.u32 v3, $0x3  }
0xb2: {  	v4 =	vmul.u32 $0x18, v57  }
0xb3: {  	v3 =	vand.u32 $0x7, v3  }
0xb4: {  	v3 =	vor.u32 v3, v4  }
0xb5: {  	v4 =	vperm.xlane v3, v0;
	_ =	sdelay $0x1  }
0xb6: {  	v4 =	vadd.s32 v1, v4;
	_ =	sdelay $0x1  }
0xb7: {  	v3 =	vperm.xlane v3, v2;
	_ =	sdelay $0x1  }
0xb8: {  	v3 =	vadd.s32 v1, v3  }
0xb9: {  	[hbm4b:s3+s2] =	stream.indirect_vreg.scatter [tilespmem:s17], [sflag:$0x2], $0x80, v4, vm0, $0xb8;
	[tilespmem:$0xC100] =	vst v63  }
0xba: {  	_ = 	snop  }
0xbb: {  	[hbm4b:s4+s2] =	stream.indirect_vreg.scatter [tilespmem:s18], [sflag:$0x2], $0x80, v4, vm1, $0xb8;
	[tilespmem:$0xC100] =	vst v63  }
0xbc: {  	_ = 	snop  }
0xbd: {  	[hbm4b:s3+s2] =	stream.indirect_vreg.scatter [tilespmem:s19], [sflag:$0x2], $0x80, v3, vm0, $0xb8;
	[tilespmem:$0xC100] =	vst v63  }
0xbe: {  	_ = 	snop  }
0xbf: {  	[hbm4b:s4+s2] =	stream.indirect_vreg.scatter [tilespmem:s20], [sflag:$0x2], $0x80, v3, vm1, $0xb8;
	[tilespmem:$0xC100] =	vst v63  }
0xc0: {  	v3 =	vld [tilespmem:$0xC0A0];
	_ =	sdelay $0x4  }
0xc1: {  	v58 =	vshrl.u32 v3, $0x3  }
0xc2: {  	v4 =	vmul.u32 $0x18, v58  }
0xc3: {  	v3 =	vand.u32 $0x7, v3  }
0xc4: {  	v3 =	vor.u32 v3, v4  }
0xc5: {  	v4 =	vperm.xlane v3, v0;
	_ =	sdelay $0x1  }
0xc6: {  	v4 =	vadd.s32 v1, v4;
	_ =	sdelay $0x1  }
0xc7: {  	v3 =	vperm.xlane v3, v2;
	_ =	sdelay $0x1  }
0xc8: {  	v3 =	vadd.s32 v1, v3  }
0xc9: {  	[hbm4b:s3+s2] =	stream.indirect_vreg.scatter [tilespmem:s21], [sflag:$0x2], $0x80, v4, vm0, $0xb8;
	[tilespmem:$0xC100] =	vst v63  }
0xca: {  	_ = 	snop  }
0xcb: {  	[hbm4b:s4+s2] =	stream.indirect_vreg.scatter [tilespmem:s22], [sflag:$0x2], $0x80, v4, vm1, $0xb8;
	[tilespmem:$0xC100] =	vst v63  }
0xcc: {  	_ = 	snop  }
0xcd: {  	[hbm4b:s3+s2] =	stream.indirect_vreg.scatter [tilespmem:s23], [sflag:$0x2], $0x80, v3, vm0, $0xb8;
	[tilespmem:$0xC100] =	vst v63  }
0xce: {  	_ = 	snop  }
0xcf: {  	[hbm4b:s4+s2] =	stream.indirect_vreg.scatter [tilespmem:s24], [sflag:$0x2], $0x80, v3, vm1, $0xb8;
	[tilespmem:$0xC100] =	vst v63  }
0xd0: {  	v3 =	vld [tilespmem:$0xC0B0];
	_ =	sdelay $0x4  }
0xd1: {  	v59 =	vshrl.u32 v3, $0x3  }
0xd2: {  	v4 =	vmul.u32 $0x18, v59  }
0xd3: {  	v3 =	vand.u32 $0x7, v3  }
0xd4: {  	v3 =	vor.u32 v3, v4  }
0xd5: {  	v4 =	vperm.xlane v3, v0;
	_ =	sdelay $0x1  }
0xd6: {  	v4 =	vadd.s32 v1, v4;
	_ =	sdelay $0x1  }
0xd7: {  	v3 =	vperm.xlane v3, v2;
	_ =	sdelay $0x1  }
0xd8: {  	v3 =	vadd.s32 v1, v3  }
0xd9: {  	[hbm4b:s3+s2] =	stream.indirect_vreg.scatter [tilespmem:s25], [sflag:$0x2], $0x80, v4, vm0, $0xb8;
	[tilespmem:$0xC100] =	vst v63  }
0xda: {  	_ = 	snop  }
0xdb: {  	[hbm4b:s4+s2] =	stream.indirect_vreg.scatter [tilespmem:s26], [sflag:$0x2], $0x80, v4, vm1, $0xb8;
	[tilespmem:$0xC100] =	vst v63  }
0xdc: {  	_ = 	snop  }
0xdd: {  	[hbm4b:s3+s2] =	stream.indirect_vreg.scatter [tilespmem:s28], [sflag:$0x2], $0x80, v3, vm0, $0xb8;
	[tilespmem:$0xC100] =	vst v63  }
0xde: {  	_ = 	snop  }
0xdf: {  	[hbm4b:s4+s2] =	stream.indirect_vreg.scatter [tilespmem:s29], [sflag:$0x2], $0x80, v3, vm1, $0xb8;
	[tilespmem:$0xC100] =	vst v63  }
0xe0: {  	v3 =	vld [tilespmem:$0xC0C0];
	_ =	sdelay $0x4  }
0xe1: {  	v60 =	vshrl.u32 v3, $0x3  }
0xe2: {  	v4 =	vmul.u32 $0x18, v60  }
0xe3: {  	v3 =	vand.u32 $0x7, v3  }
0xe4: {  	v3 =	vor.u32 v3, v4  }
0xe5: {  	v4 =	vperm.xlane v3, v0;
	_ =	sdelay $0x1  }
0xe6: {  	v4 =	vadd.s32 v1, v4;
	_ =	sdelay $0x1  }
0xe7: {  	v3 =	vperm.xlane v3, v2;
	_ =	sdelay $0x1  }
0xe8: {  	v3 =	vadd.s32 v1, v3  }
0xe9: {  	[hbm4b:s3+s2] =	stream.indirect_vreg.scatter [tilespmem:s30], [sflag:$0x2], $0x80, v4, vm0, $0xb8;
	[tilespmem:$0xC100] =	vst v63  }
0xea: {  	_ = 	snop  }
0xeb: {  	[hbm4b:s4+s2] =	stream.indirect_vreg.scatter [tilespmem:s31], [sflag:$0x2], $0x80, v4, vm1, $0xb8;
	[tilespmem:$0xC100] =	vst v63  }
0xec: {  	_ = 	snop  }
0xed: {  	[hbm4b:s3+s2] =	stream.indirect_vreg.scatter [tilespmem:s1], [sflag:$0x2], $0x80, v3, vm0, $0xb8;
	[tilespmem:$0xC100] =	vst v63  }
0xee: {  	s14 =	simm.s32 $0x7400  }
0xef: {  	[hbm4b:s4+s2] =	stream.indirect_vreg.scatter [tilespmem:s14], [sflag:$0x2], $0x80, v3, vm1, $0xb8;
	[tilespmem:$0xC100] =	vst v63  }
0xf0: {  	v3 =	vld [tilespmem:$0xC0D0];
	_ =	sdelay $0x4  }
0xf1: {  	v61 =	vshrl.u32 v3, $0x3  }
0xf2: {  	v4 =	vmul.u32 $0x18, v61  }
0xf3: {  	v3 =	vand.u32 $0x7, v3  }
0xf4: {  	v3 =	vor.u32 v3, v4  }
0xf5: {  	v4 =	vperm.xlane v3, v0;
	_ =	sdelay $0x1  }
0xf6: {  	v4 =	vadd.s32 v1, v4;
	_ =	sdelay $0x1  }
0xf7: {  	v3 =	vperm.xlane v3, v2;
	_ =	sdelay $0x1  }
0xf8: {  	v3 =	vadd.s32 v1, v3  }
0xf9: {  	[hbm4b:s3+s2] =	stream.indirect_vreg.scatter [tilespmem:s7], [sflag:$0x2], $0x80, v4, vm0, $0xb8;
	[tilespmem:$0xC100] =	vst v63  }
0xfa: {  	_ = 	snop  }
0xfb: {  	[hbm4b:s4+s2] =	stream.indirect_vreg.scatter [tilespmem:s8], [sflag:$0x2], $0x80, v4, vm1, $0xb8;
	[tilespmem:$0xC100] =	vst v63  }
0xfc: {  	_ = 	snop  }
0xfd: {  	[hbm4b:s3+s2] =	stream.indirect_vreg.scatter [tilespmem:s9], [sflag:$0x2], $0x80, v3, vm0, $0xb8;
	[tilespmem:$0xC100] =	vst v63  }
0xfe: {  	_ = 	snop  }
0xff: {  	[hbm4b:s4+s2] =	stream.indirect_vreg.scatter [tilespmem:s10], [sflag:$0x2], $0x80, v3, vm1, $0xb8;
	[tilespmem:$0xC100] =	vst v63  }
0x100: {  	v3 =	vld [tilespmem:$0xC0E0];
	_ =	sdelay $0x4  }
0x101: {  	v62 =	vshrl.u32 v3, $0x3  }
0x102: {  	v4 =	vmul.u32 $0x18, v62  }
0x103: {  	v3 =	vand.u32 $0x7, v3  }
0x104: {  	v3 =	vor.u32 v3, v4  }
0x105: {  	v4 =	vperm.xlane v3, v0;
	_ =	sdelay $0x1  }
0x106: {  	v4 =	vadd.s32 v1, v4;
	_ =	sdelay $0x1  }
0x107: {  	v3 =	vperm.xlane v3, v2;
	_ =	sdelay $0x1  }
0x108: {  	v3 =	vadd.s32 v1, v3  }
0x109: {  	[hbm4b:s3+s2] =	stream.indirect_vreg.scatter [tilespmem:s11], [sflag:$0x2], $0x80, v4, vm0, $0xb8;
	[tilespmem:$0xC100] =	vst v63  }
0x10a: {  	_ = 	snop  }
0x10b: {  	[hbm4b:s4+s2] =	stream.indirect_vreg.scatter [tilespmem:s12], [sflag:$0x2], $0x80, v4, vm1, $0xb8;
	[tilespmem:$0xC100] =	vst v63  }
0x10c: {  	_ = 	snop  }
0x10d: {  	[hbm4b:s3+s2] =	stream.indirect_vreg.scatter [tilespmem:s13], [sflag:$0x2], $0x80, v3, vm0, $0xb8;
	[tilespmem:$0xC100] =	vst v63  }
0x10e: {  	s15 =	simm.s32 $0xA400  }
0x10f: {  	[hbm4b:s4+s2] =	stream.indirect_vreg.scatter [tilespmem:s15], [sflag:$0x2], $0x80, v3, vm1, $0xb8;
	[tilespmem:$0xC100] =	vst v63  }
0x110: {  	v3 =	vld [tilespmem:$0xC0F0];
	_ =	sdelay $0x4  }
0x111: {  	v63 =	vshrl.u32 v3, $0x3  }
0x112: {  	v4 =	vmul.u32 $0x18, v63  }
0x113: {  	v3 =	vand.u32 $0x7, v3  }
0x114: {  	v3 =	vor.u32 v3, v4  }
0x115: {  	v4 =	vperm.xlane v3, v0;
	_ =	sdelay $0x1  }
0x116: {  	v4 =	vadd.s32 v1, v4;
	_ =	sdelay $0x1  }
0x117: {  	v3 =	vperm.xlane v3, v2;
	_ =	sdelay $0x1  }
0x118: {  	s14 =	simm.s32 $0xA800;
	v3 =	vadd.s32 v1, v3  }
0x119: {  	[hbm4b:s3+s2] =	stream.indirect_vreg.scatter [tilespmem:s14], [sflag:$0x2], $0x80, v4, vm0, $0xb8;
	[tilespmem:$0xC100] =	vst v63  }
0x11a: {  	s15 =	simm.s32 $0xB000  }
0x11b: {  	[hbm4b:s4+s2] =	stream.indirect_vreg.scatter [tilespmem:s15], [sflag:$0x2], $0x80, v4, vm1, $0xb8;
	[tilespmem:$0xC100] =	vst v63  }
0x11c: {  	s14 =	simm.s32 $0xB400  }
0x11d: {  	[hbm4b:s3+s2] =	stream.indirect_vreg.scatter [tilespmem:s14], [sflag:$0x2], $0x80, v3, vm0, $0xb8;
	[tilespmem:$0xC100] =	vst v63  }
0x11e: {  	s15 =	simm.s32 $0xBC00;
	s14 =	simm.s32 $0x1  }
0x11f: {  	[hbm4b:s4+s2] =	stream.indirect_vreg.scatter [tilespmem:s15], [sflag:$0x2], $0x80, v3, vm1, $0xb8;
	[tilespmem:$0xC100] =	vst v63  }
0x120: {  	p0 =	sne.s32 s5, $0x1;
	_ =	swait.ge [sflag:s14], $0xC000  }
.Ltmp0:
0x121: {  	[sflag:s14] =	ssyncset.done $0x0;
	(pc) =	sbr.rel @p0 .LBB2_1-.Ltmp0, $4  }
0x122: {  	s15 =	simm.s32 $0x2;
	[sflag:s14] =	ssyncadd.s32 $0xFFFF4000  }
0x123: {  	_ =	swait.ge [sflag:s15], $0xC000  }
0x124: {  	[sflag:s15] =	ssyncset.done $0x0  }
0x125: {  	s5 =	sadd.s32 $0xFFFFFFFF, s5;
	[sflag:s15] =	ssyncadd.s32 $0xFFFF4000  }
0x126: {  	_ =	sfence.sel $0x180000  }
0x127: {  	[bflag:$0x0] =	sbarrier.arrive $0xFFFF  }
0x128: {  	_ =	strace $0x90000047  }
0x129: {  	s0 =	stileid.u32;
	[bflag:$0x2] =	sbarrier.arrive $0xFFFF  }
0x12a: {  	p0 =	sne.s32 s0, $0x0;
	s0 =	rddreg [dreg:$0x2]  }
0x12b: {  	s0 =	sadd.s32 @!p0 $0x100000, s0  }
0x12c: {  	[sflag:s0] =	ssyncadd.tile.s32 @!p0 $0x1;
	_ =	shalt  }
.Lfunc_end2:
_tile_overlayer_lowered:
.L_overlay_start_2:
0x12d: {  	(tag) =	ssettag $0x2  }
0x12e: {  	s0 =	rddreg [dreg:$0x0];
	s2 =	stileid.u32  }
0x12f: {  	s1 =	rddreg [dreg:$0x1];
	p0 =	sne.s32 s2, $0x0  }
0x130: {  	s3 =	rddreg [dreg:$0x2];
	[bflag:$0x3] =	sbarrier.arrive $0xFFFF;
	s2 =	simm.s32 @!p0 $0x1C03  }
0x131: {  	[timem:s3], [sflag:s2] =	dma.local @!p0 [hbm:s0], s1  }
0x132: {  	s0 =	simm.s32 @!p0 $0x3  }
0x133: {  	_ =	swait.ge @!p0 [sflag:s0], s1  }
0x134: {  	s1 =	ssub.s32 @!p0 $0x0, s1;
	[sflag:s0] =	ssyncset.done @!p0 $0x0  }
0x135: {  	[sflag:s0] =	ssyncadd.s32 @!p0 s1  }
0x136: {  	[bflag:$0x3] =	sbarrier.arrive $0xFFFF  }
0x137: {  	_ =	shalt  }

</sc_bundles>
